<compile_context>
chip_gen: v7x
topology: tpu7x:2x2x1
jax: 0.10.2.dev20260603
libtpu: 0.0.44.dev20260713+nightly
codegen_flags: <defaults>
</compile_context>

<pallas_src>
import functools

import jax
import jax.numpy as jnp
from jax import lax
from jax.experimental import pallas as pl
from jax.experimental.pallas import tpu as pltpu
from jax.experimental.pallas import tpu_sc as plsc

N = 10000
E = 320000
F_IN = 128
H = 64
G = 64

NC = 2
NS = 16
NW = NC * NS
EPW = E // NW
CH = 80
NCH = EPW // CH
RPT = N // NS
DW = 8


@functools.cache
def _sc_kernels():
    mesh = plsc.VectorSubcoreMesh(
        core_axis_name="c", subcore_axis_name="s",
        num_cores=NC, num_subcores=NS)

    no_tc_tiling = pltpu.CompilerParams(use_tc_tiling_on_sc=False)

    @functools.partial(
        pl.kernel,
        out_type=jax.ShapeDtypeStruct((NC, N, DW), jnp.float32),
        mesh=mesh,
        compiler_params=no_tc_tiling,
        scratch_types=[
            pltpu.VMEM_SHARED((N, DW), jnp.float32),
            pltpu.VMEM((NCH, CH), jnp.int32),
            pltpu.VMEM((CH, DW), jnp.float32),
        ],
    )
    def deg_kernel(col_hbm, zeros_hbm, ones_hbm, out_hbm, acc, col_v, ones_v):
        c = lax.axis_index("c")
        s = lax.axis_index("s")
        wid = s * NC + c
        pltpu.sync_copy(zeros_hbm.at[pl.ds(s * RPT, RPT)],
                        acc.at[pl.ds(s * RPT, RPT)])
        pltpu.sync_copy(col_hbm.at[wid], col_v)
        pltpu.sync_copy(ones_hbm, ones_v)
        plsc.subcore_barrier()

        def chunk(j, carry):
            pltpu.sync_copy(ones_v, acc.at[col_v.at[j]], add=True)
            return carry

        lax.fori_loop(0, NCH, chunk, 0)
        plsc.subcore_barrier()
        pltpu.sync_copy(acc.at[pl.ds(s * RPT, RPT)],
                        out_hbm.at[c, pl.ds(s * RPT, RPT)])

    @functools.partial(
        pl.kernel,
        out_type=jax.ShapeDtypeStruct((NC, N, H), jnp.float32),
        mesh=mesh,
        compiler_params=no_tc_tiling,
        scratch_types=[
            pltpu.VMEM_SHARED((N, H), jnp.float32),
            pltpu.VMEM((NCH, CH), jnp.int32),
            pltpu.VMEM((NCH, CH), jnp.int32),
            pltpu.VMEM((CH, H), jnp.float32),
            pltpu.VMEM((CH, H), jnp.float32),
            pltpu.SemaphoreType.DMA,
            pltpu.SemaphoreType.DMA,
        ],
    )
    def edge_kernel(xws_hbm, row_hbm, col_hbm, zeros_hbm, out_hbm,
                    acc, row_v, col_v, rows_a, rows_b, sem_a, sem_b):
        c = lax.axis_index("c")
        s = lax.axis_index("s")
        wid = s * NC + c
        table = xws_hbm
        pltpu.sync_copy(zeros_hbm.at[pl.ds(s * RPT, RPT)],
                        acc.at[pl.ds(s * RPT, RPT)])
        pltpu.sync_copy(row_hbm.at[wid], row_v)
        pltpu.sync_copy(col_hbm.at[wid], col_v)
        plsc.subcore_barrier()

        pltpu.async_copy(table.at[row_v.at[0]], rows_a, sem_a)

        def pair(k, carry):
            j = 2 * k
            pltpu.async_copy(table.at[row_v.at[j + 1]], rows_b, sem_b)
            pltpu.make_async_copy(table.at[row_v.at[j]], rows_a, sem_a).wait()
            pltpu.sync_copy(rows_a, acc.at[col_v.at[j]], add=True)
            pltpu.async_copy(table.at[row_v.at[j + 2]], rows_a, sem_a)
            pltpu.make_async_copy(table.at[row_v.at[j + 1]], rows_b, sem_b).wait()
            pltpu.sync_copy(rows_b, acc.at[col_v.at[j + 1]], add=True)
            return carry

        lax.fori_loop(0, (NCH - 1) // 2, pair, 0)
        pltpu.make_async_copy(table.at[row_v.at[NCH - 1]], rows_a, sem_a).wait()
        pltpu.sync_copy(rows_a, acc.at[col_v.at[NCH - 1]], add=True)
        plsc.subcore_barrier()
        pltpu.sync_copy(acc.at[pl.ds(s * RPT, RPT)],
                        out_hbm.at[c, pl.ds(s * RPT, RPT)])

    return deg_kernel, edge_kernel



def _dis(deg_ref):
    return lax.rsqrt(deg_ref[0, :, 0:1] + deg_ref[1, :, 0:1] + 1.0)


def _tc_pre_body(x_ref, w_ref, deg_ref, o_ref):
    dis = _dis(deg_ref)
    xw = jnp.dot(x_ref[...], w_ref[...], preferred_element_type=jnp.float32)
    o_ref[...] = xw * dis


def _tc_mid_body(acc_ref, xws_ref, deg_ref, b_ref, w_ref, o_ref):
    dis = _dis(deg_ref)
    pre = dis * (acc_ref[0] + acc_ref[1] + xws_ref[...]) + b_ref[...]
    h = jnp.maximum(pre, 0.0)
    o_ref[...] = jnp.dot(h, w_ref[...], preferred_element_type=jnp.float32) * dis


def _tc_post_body(acc_ref, xws_ref, deg_ref, b_ref, batch_ref, wl_ref, bl_ref,
                  o_ref):
    dis = _dis(deg_ref)
    pre = dis * (acc_ref[0] + acc_ref[1] + xws_ref[...]) + b_ref[...]
    h = jnp.maximum(pre, 0.0)
    gids = lax.broadcasted_iota(jnp.int32, (G, N), 0)
    onehot = (gids == batch_ref[...]).astype(jnp.float32)
    sums = jnp.dot(onehot, h, preferred_element_type=jnp.float32)
    counts = jnp.sum(onehot, axis=1, keepdims=True)
    pooled = sums / jnp.maximum(counts, 1.0)
    logits = jnp.dot(pooled, wl_ref[...], preferred_element_type=jnp.float32)
    o_ref[...] = jax.nn.sigmoid(logits + bl_ref[...])


def _tc_call(body, out_shape, *args):
    return pl.pallas_call(
        body, out_shape=jax.ShapeDtypeStruct(out_shape, jnp.float32))(*args)



@jax.jit
def _impl(x, edge_index, batch, W1, b1, W2, b2, Wl, bl):
    row = edge_index[0].astype(jnp.int32).reshape(NW, NCH, CH)
    col = edge_index[1].astype(jnp.int32).reshape(NW, NCH, CH)
    zeros_nh = jnp.zeros((N, H), jnp.float32)
    zeros_nd = jnp.zeros((N, DW), jnp.float32)
    ones_cd = jnp.ones((CH, DW), jnp.float32)
    b1r = b1.reshape(1, H)
    b2r = b2.reshape(1, H)
    blr = bl.reshape(1, 1)
    batch_r = batch.astype(jnp.int32).reshape(1, N)

    deg_kernel, edge_kernel = _sc_kernels()
    deg = deg_kernel(col, zeros_nd, ones_cd)
    xws1 = _tc_call(_tc_pre_body, (N, H), x, W1, deg)
    acc1 = edge_kernel(xws1, row, col, zeros_nh)
    xws2 = _tc_call(_tc_mid_body, (N, H), acc1, xws1, deg, b1r, W2)
    acc2 = edge_kernel(xws2, row, col, zeros_nh)
    out = _tc_call(_tc_post_body, (G, 1),
                   acc2, xws2, deg, b2r, batch_r, Wl, blr)
    return out.reshape(G)


def kernel(x, edge_index, batch, W1, b1, W2, b2, Wl, bl):
    return _impl(x, edge_index, batch, W1, b1, W2, b2, Wl, bl)

# --- scband reference (transcript-rebuilt; emitter-appended) ---
"""Pipeline reference for scband-scene-gnn-42013370089701 (READ-ONLY COPY).

The authoritative reference and input builder live on the scoring server;
editing this copy changes nothing except your own understanding.
"""

import jax, jax.numpy as jnp
import numpy as np

N_NODES = 10000
N_EDGES = 320000
IN_FEATS = 128
HIDDEN = 64
N_GRAPHS = 64


def gcn_conv(x, edge_index, W, b):
    N = x.shape[0]
    row = edge_index[0]
    col = edge_index[1]
    loop = jnp.arange(N, dtype=row.dtype)
    row = jnp.concatenate([row, loop])
    col = jnp.concatenate([col, loop])
    deg = jnp.zeros((N,), dtype=x.dtype).at[col].add(1.0)
    deg_inv_sqrt = jnp.where(deg > 0, 1.0 / jnp.sqrt(deg), 0.0)
    norm = deg_inv_sqrt[row] * deg_inv_sqrt[col]
    xw = x @ W
    msg = xw[row] * norm[:, None]
    out = jnp.zeros((N, W.shape[1]), dtype=x.dtype).at[col].add(msg)
    return out + b


def setup_inputs(seed: int = 0) -> dict:
    key = jax.random.key(seed)
    ks = jax.random.split(key, 9)
    x = jax.random.normal(ks[0], (N_NODES, IN_FEATS), dtype=jnp.float32)
    edge_index = jax.random.randint(ks[1], (2, N_EDGES), 0, N_NODES, dtype=jnp.int64)
    batch = jnp.sort(jax.random.randint(ks[2], (N_NODES,), 0, N_GRAPHS, dtype=jnp.int64))
    W1 = jax.random.normal(ks[3], (IN_FEATS, HIDDEN), dtype=jnp.float32) * (1.0 / np.sqrt(IN_FEATS))
    b1 = jnp.zeros((HIDDEN,), dtype=jnp.float32)
    W2 = jax.random.normal(ks[4], (HIDDEN, HIDDEN), dtype=jnp.float32) * (1.0 / np.sqrt(HIDDEN))
    b2 = jnp.zeros((HIDDEN,), dtype=jnp.float32)
    Wl = jax.random.normal(ks[5], (HIDDEN, 1), dtype=jnp.float32) * (1.0 / np.sqrt(HIDDEN))
    bl = jnp.zeros((1,), dtype=jnp.float32)
    return {"x": x, "edge_index": edge_index, "batch": batch,
            "W1": W1, "b1": b1, "W2": W2, "b2": b2, "Wl": Wl, "bl": bl}


def reference(x, edge_index, batch, W1, b1, W2, b2, Wl, bl):
    h = jax.nn.relu(gcn_conv(x, edge_index, W1, b1))
    h = jax.nn.relu(gcn_conv(h, edge_index, W2, b2))
    sums = jax.ops.segment_sum(h, batch, num_segments=N_GRAPHS)
    counts = jax.ops.segment_sum(jnp.ones((h.shape[0],), dtype=h.dtype), batch, num_segments=N_GRAPHS)
    pooled = sums / jnp.clip(counts, 1.0)[:, None]
    out = jax.nn.sigmoid(pooled @ Wl + bl)
    return out.squeeze(-1)

if __name__ == "__main__":
    import jax
    _d = setup_inputs()
    print(jax.jit(kernel)(*tuple(_d.values())))

</pallas_src>

<mosaic_0001>
#map = affine_map<(d0, d1) -> (0, 0, 0)>
#map1 = affine_map<(d0, d1) -> (0, 0)>
module attributes {stable_mosaic.version = 14 : i64} {
  func.func @deg_kernel(%arg0: i32, %arg1: i32, %arg2: memref<32x125x80xi32, #tpu.memory_space<hbm>>, %arg3: memref<10000x8xf32, #tpu.memory_space<hbm>>, %arg4: memref<80x8xf32, #tpu.memory_space<hbm>>, %arg5: memref<2x10000x8xf32, #tpu.memory_space<hbm>>, %arg6: memref<10000x8xf32, #tpu.memory_space<vmem_shared>>, %arg7: memref<125x80xi32, #tpu.memory_space<vmem>>, %arg8: memref<80x8xf32, #tpu.memory_space<vmem>>) attributes {dimension_semantics = [#tpu.dimension_semantics<core_parallel>, #tpu.dimension_semantics<subcore_parallel>], iteration_bounds = array<i64: 2, 16>, scalar_prefetch = 0 : i64, scratch_operands = 3 : i64, tpu.core_type = #tpu.core_type<sc_vector_subcore>, window_params = [{transform_indices = #map}, {transform_indices = #map1}, {transform_indices = #map1}, {transform_indices = #map}]} {
    %mul3A = arith.constant 2 : i32
    %mul3A_0 = arith.muli %arg1, %mul3A : i32
    %add3A = arith.addi %mul3A_0, %arg0 : i32
    %mul3A_1 = arith.constant 625 : i32
    %mul3A_2 = arith.muli %arg1, %mul3A_1 : i32
    %mul3A_3 = arith.constant 625 : i32
    %mul3A_4 = arith.muli %arg1, %mul3A_3 : i32
    "tpu.region"() ({
      %run_scoped3A = tpu.sem_alloc : memref<!tpu.dma_semaphore, #tpu.memory_space<semaphore_mem>>
      %dma_start3A = arith.constant 0 : i32
      %dma_start3A_15 = tpu.memref_slice %arg6[%mul3A_4, %dma_start3A] : memref<10000x8xf32, #tpu.memory_space<vmem_shared>> -> memref<625x8xf32, #tpu.memory_space<vmem_shared>>
      %dma_start3A_16 = arith.constant 0 : i32
      %dma_start3A_17 = tpu.memref_slice %arg3[%mul3A_2, %dma_start3A_16] : memref<10000x8xf32, #tpu.memory_space<hbm>> -> memref<625x8xf32, #tpu.memory_space<hbm>>
      tpu.enqueue_dma source(%dma_start3A_17 : memref<625x8xf32, #tpu.memory_space<hbm>>) target(%dma_start3A_15 : memref<625x8xf32, #tpu.memory_space<vmem_shared>>) target_semaphore(%run_scoped3A : memref<!tpu.dma_semaphore, #tpu.memory_space<semaphore_mem>>)
      %dma_wait3A = arith.constant 0 : i32
      %dma_wait3A_18 = tpu.memref_slice %arg6[%mul3A_4, %dma_wait3A] : memref<10000x8xf32, #tpu.memory_space<vmem_shared>> -> memref<625x8xf32, #tpu.memory_space<vmem_shared>>
      %dma_wait3A_19 = arith.constant 0 : i32
      %dma_wait3A_20 = tpu.memref_slice %arg3[%mul3A_2, %dma_wait3A_19] : memref<10000x8xf32, #tpu.memory_space<hbm>> -> memref<625x8xf32, #tpu.memory_space<hbm>>
      tpu.wait_dma2 semaphore(%run_scoped3A : memref<!tpu.dma_semaphore, #tpu.memory_space<semaphore_mem>>) src(%dma_wait3A_20 : memref<625x8xf32, #tpu.memory_space<hbm>>) dst(%dma_wait3A_18 : memref<625x8xf32, #tpu.memory_space<vmem_shared>>)
      tpu.yield
    }) : () -> ()
    "tpu.region"() ({
      %run_scoped3A = tpu.sem_alloc : memref<!tpu.dma_semaphore, #tpu.memory_space<semaphore_mem>>
      %dma_start3A = arith.constant 0 : i32
      %dma_start3A_15 = arith.constant 0 : i32
      %dma_start3A_16 = tpu.memref_slice %arg2[%add3A, %dma_start3A, %dma_start3A_15] : memref<32x125x80xi32, #tpu.memory_space<hbm>> -> memref<1x125x80xi32, #tpu.memory_space<hbm>>
      %dma_start3A_17 = tpu.memref_squeeze %dma_start3A_16 : memref<1x125x80xi32, #tpu.memory_space<hbm>> -> memref<125x80xi32, #tpu.memory_space<hbm>>
      %dma_start3A_18 = arith.constant 0 : i32
      %dma_start3A_19 = arith.constant 0 : i32
      %dma_start3A_20 = tpu.memref_slice %arg2[%add3A, %dma_start3A_18, %dma_start3A_19] : memref<32x125x80xi32, #tpu.memory_space<hbm>> -> memref<1x125x80xi32, #tpu.memory_space<hbm>>
      %dma_start3A_21 = tpu.memref_squeeze %dma_start3A_20 : memref<1x125x80xi32, #tpu.memory_space<hbm>> -> memref<125x80xi32, #tpu.memory_space<hbm>>
      tpu.enqueue_dma source(%dma_start3A_21 : memref<125x80xi32, #tpu.memory_space<hbm>>) target(%arg7 : memref<125x80xi32, #tpu.memory_space<vmem>>) target_semaphore(%run_scoped3A : memref<!tpu.dma_semaphore, #tpu.memory_space<semaphore_mem>>)
      %dma_wait3A = arith.constant 0 : i32
      %dma_wait3A_22 = arith.constant 0 : i32
      %dma_wait3A_23 = tpu.memref_slice %arg2[%add3A, %dma_wait3A, %dma_wait3A_22] : memref<32x125x80xi32, #tpu.memory_space<hbm>> -> memref<1x125x80xi32, #tpu.memory_space<hbm>>
      %dma_wait3A_24 = tpu.memref_squeeze %dma_wait3A_23 : memref<1x125x80xi32, #tpu.memory_space<hbm>> -> memref<125x80xi32, #tpu.memory_space<hbm>>
      %dma_wait3A_25 = arith.constant 0 : i32
      %dma_wait3A_26 = arith.constant 0 : i32
      %dma_wait3A_27 = tpu.memref_slice %arg2[%add3A, %dma_wait3A_25, %dma_wait3A_26] : memref<32x125x80xi32, #tpu.memory_space<hbm>> -> memref<1x125x80xi32, #tpu.memory_space<hbm>>
      %dma_wait3A_28 = tpu.memref_squeeze %dma_wait3A_27 : memref<1x125x80xi32, #tpu.memory_space<hbm>> -> memref<125x80xi32, #tpu.memory_space<hbm>>
      tpu.wait_dma2 semaphore(%run_scoped3A : memref<!tpu.dma_semaphore, #tpu.memory_space<semaphore_mem>>) src(%dma_wait3A_28 : memref<125x80xi32, #tpu.memory_space<hbm>>) dst(%arg7 : memref<125x80xi32, #tpu.memory_space<vmem>>)
      tpu.yield
    }) : () -> ()
    "tpu.region"() ({
      %run_scoped3A = tpu.sem_alloc : memref<!tpu.dma_semaphore, #tpu.memory_space<semaphore_mem>>
      tpu.enqueue_dma source(%arg4 : memref<80x8xf32, #tpu.memory_space<hbm>>) target(%arg8 : memref<80x8xf32, #tpu.memory_space<vmem>>) target_semaphore(%run_scoped3A : memref<!tpu.dma_semaphore, #tpu.memory_space<semaphore_mem>>)
      tpu.wait_dma2 semaphore(%run_scoped3A : memref<!tpu.dma_semaphore, #tpu.memory_space<semaphore_mem>>) src(%arg4 : memref<80x8xf32, #tpu.memory_space<hbm>>) dst(%arg8 : memref<80x8xf32, #tpu.memory_space<vmem>>)
      tpu.yield
    }) : () -> ()
    %barrier3A = arith.constant 0 : index
    tpu.barrier barrier_id(%barrier3A)
    %scan3A = arith.constant 0 : i32
    %scan3A_5 = arith.constant 0 : i32
    %scan3A_6 = arith.constant 125 : i32
    %scan3A_7 = arith.addi %scan3A_5, %scan3A_6 : i32
    %scan3A_8 = arith.constant 1 : i32
    scf.for %scan3A_15 = %scan3A_5 to %scan3A_7 step %scan3A_8  : i32 {
      "tpu.region"() ({
        %run_scoped3A = tpu.sem_alloc : memref<!tpu.dma_semaphore, #tpu.memory_space<semaphore_mem>>
        %dma_start3A = arith.constant 0 : i32
        %dma_start3A_16 = tpu.memref_slice %arg7[%scan3A_15, %dma_start3A] : memref<125x80xi32, #tpu.memory_space<vmem>> -> memref<1x80xi32, #tpu.memory_space<vmem>>
        %dma_start3A_17 = tpu.memref_squeeze %dma_start3A_16 : memref<1x80xi32, #tpu.memory_space<vmem>> -> memref<80xi32, #tpu.memory_space<vmem>>
        %dma_start3A_18 = arith.constant 0 : i32
        %dma_start3A_19 = arith.constant 0 : i32
        %dma_start3A_20 = tpu.memref_slice %arg6[%dma_start3A_18, %dma_start3A_19] : memref<10000x8xf32, #tpu.memory_space<vmem_shared>> -> memref<10000x8xf32, #tpu.memory_space<vmem_shared>>
        tpu.enqueue_indirect_dma source(%arg8 : memref<80x8xf32, #tpu.memory_space<vmem>>) target(%dma_start3A_20 : memref<10000x8xf32, #tpu.memory_space<vmem_shared>>) offsets(%dma_start3A_17 : memref<80xi32, #tpu.memory_space<vmem>>) semaphore(%run_scoped3A : memref<!tpu.dma_semaphore, #tpu.memory_space<semaphore_mem>>) {add = true}
        %dma_wait3A = arith.constant 0 : i32
        %dma_wait3A_21 = tpu.memref_slice %arg7[%scan3A_15, %dma_wait3A] : memref<125x80xi32, #tpu.memory_space<vmem>> -> memref<1x80xi32, #tpu.memory_space<vmem>>
        %dma_wait3A_22 = tpu.memref_squeeze %dma_wait3A_21 : memref<1x80xi32, #tpu.memory_space<vmem>> -> memref<80xi32, #tpu.memory_space<vmem>>
        %dma_wait3A_23 = arith.constant 0 : i32
        %dma_wait3A_24 = arith.constant 0 : i32
        %dma_wait3A_25 = tpu.memref_slice %arg6[%dma_wait3A_23, %dma_wait3A_24] : memref<10000x8xf32, #tpu.memory_space<vmem_shared>> -> memref<10000x8xf32, #tpu.memory_space<vmem_shared>>
        tpu.wait_indirect_dma semaphore(%run_scoped3A : memref<!tpu.dma_semaphore, #tpu.memory_space<semaphore_mem>>) src(%arg8 : memref<80x8xf32, #tpu.memory_space<vmem>>) dst(%dma_wait3A_25 : memref<10000x8xf32, #tpu.memory_space<vmem_shared>>)
        tpu.yield
      }) : () -> ()
    }
    %scan3A_9 = arith.constant 125 : i32
    %barrier3A_10 = arith.constant 0 : index
    tpu.barrier barrier_id(%barrier3A_10)
    %mul3A_11 = arith.constant 625 : i32
    %mul3A_12 = arith.muli %arg1, %mul3A_11 : i32
    %mul3A_13 = arith.constant 625 : i32
    %mul3A_14 = arith.muli %arg1, %mul3A_13 : i32
    "tpu.region"() ({
      %run_scoped3A = tpu.sem_alloc : memref<!tpu.dma_semaphore, #tpu.memory_space<semaphore_mem>>
      %dma_start3A = arith.constant 0 : i32
      %dma_start3A_15 = tpu.memref_slice %arg5[%arg0, %mul3A_14, %dma_start3A] : memref<2x10000x8xf32, #tpu.memory_space<hbm>> -> memref<1x625x8xf32, #tpu.memory_space<hbm>>
      %dma_start3A_16 = tpu.memref_squeeze %dma_start3A_15 : memref<1x625x8xf32, #tpu.memory_space<hbm>> -> memref<625x8xf32, #tpu.memory_space<hbm>>
      %dma_start3A_17 = arith.constant 0 : i32
      %dma_start3A_18 = tpu.memref_slice %arg6[%mul3A_12, %dma_start3A_17] : memref<10000x8xf32, #tpu.memory_space<vmem_shared>> -> memref<625x8xf32, #tpu.memory_space<vmem_shared>>
      tpu.enqueue_dma source(%dma_start3A_18 : memref<625x8xf32, #tpu.memory_space<vmem_shared>>) target(%dma_start3A_16 : memref<625x8xf32, #tpu.memory_space<hbm>>) target_semaphore(%run_scoped3A : memref<!tpu.dma_semaphore, #tpu.memory_space<semaphore_mem>>)
      %dma_wait3A = arith.constant 0 : i32
      %dma_wait3A_19 = tpu.memref_slice %arg5[%arg0, %mul3A_14, %dma_wait3A] : memref<2x10000x8xf32, #tpu.memory_space<hbm>> -> memref<1x625x8xf32, #tpu.memory_space<hbm>>
      %dma_wait3A_20 = tpu.memref_squeeze %dma_wait3A_19 : memref<1x625x8xf32, #tpu.memory_space<hbm>> -> memref<625x8xf32, #tpu.memory_space<hbm>>
      %dma_wait3A_21 = arith.constant 0 : i32
      %dma_wait3A_22 = tpu.memref_slice %arg6[%mul3A_12, %dma_wait3A_21] : memref<10000x8xf32, #tpu.memory_space<vmem_shared>> -> memref<625x8xf32, #tpu.memory_space<vmem_shared>>
      tpu.wait_dma2 semaphore(%run_scoped3A : memref<!tpu.dma_semaphore, #tpu.memory_space<semaphore_mem>>) src(%dma_wait3A_22 : memref<625x8xf32, #tpu.memory_space<vmem_shared>>) dst(%dma_wait3A_20 : memref<625x8xf32, #tpu.memory_space<hbm>>)
      tpu.yield
    }) : () -> ()
    return
  }
}

#map = affine_map<(d0, d1) -> (0, 0)>
#map1 = affine_map<(d0, d1) -> (0, 0, 0)>
module attributes {stable_mosaic.version = 14 : i64} {
  func.func @edge_kernel(%arg0: i32, %arg1: i32, %arg2: memref<10000x64xf32, #tpu.memory_space<hbm>>, %arg3: memref<32x125x80xi32, #tpu.memory_space<hbm>>, %arg4: memref<32x125x80xi32, #tpu.memory_space<hbm>>, %arg5: memref<10000x64xf32, #tpu.memory_space<hbm>>, %arg6: memref<2x10000x64xf32, #tpu.memory_space<hbm>>, %arg7: memref<10000x64xf32, #tpu.memory_space<vmem_shared>>, %arg8: memref<125x80xi32, #tpu.memory_space<vmem>>, %arg9: memref<125x80xi32, #tpu.memory_space<vmem>>, %arg10: memref<80x64xf32, #tpu.memory_space<vmem>>, %arg11: memref<80x64xf32, #tpu.memory_space<vmem>>, %arg12: memref<!tpu.dma_semaphore, #tpu.memory_space<semaphore_mem>>, %arg13: memref<!tpu.dma_semaphore, #tpu.memory_space<semaphore_mem>>) attributes {dimension_semantics = [#tpu.dimension_semantics<core_parallel>, #tpu.dimension_semantics<subcore_parallel>], iteration_bounds = array<i64: 2, 16>, scalar_prefetch = 0 : i64, scratch_operands = 7 : i64, tpu.core_type = #tpu.core_type<sc_vector_subcore>, window_params = [{transform_indices = #map}, {transform_indices = #map1}, {transform_indices = #map1}, {transform_indices = #map}, {transform_indices = #map1}]} {
    %mul3A = arith.constant 2 : i32
    %mul3A_0 = arith.muli %arg1, %mul3A : i32
    %add3A = arith.addi %mul3A_0, %arg0 : i32
    %mul3A_1 = arith.constant 625 : i32
    %mul3A_2 = arith.muli %arg1, %mul3A_1 : i32
    %mul3A_3 = arith.constant 625 : i32
    %mul3A_4 = arith.muli %arg1, %mul3A_3 : i32
    "tpu.region"() ({
      %run_scoped3A_27 = tpu.sem_alloc : memref<!tpu.dma_semaphore, #tpu.memory_space<semaphore_mem>>
      %dma_start3A_28 = arith.constant 0 : i32
      %dma_start3A_29 = tpu.memref_slice %arg7[%mul3A_4, %dma_start3A_28] : memref<10000x64xf32, #tpu.memory_space<vmem_shared>> -> memref<625x64xf32, #tpu.memory_space<vmem_shared>>
      %dma_start3A_30 = arith.constant 0 : i32
      %dma_start3A_31 = tpu.memref_slice %arg5[%mul3A_2, %dma_start3A_30] : memref<10000x64xf32, #tpu.memory_space<hbm>> -> memref<625x64xf32, #tpu.memory_space<hbm>>
      tpu.enqueue_dma source(%dma_start3A_31 : memref<625x64xf32, #tpu.memory_space<hbm>>) target(%dma_start3A_29 : memref<625x64xf32, #tpu.memory_space<vmem_shared>>) target_semaphore(%run_scoped3A_27 : memref<!tpu.dma_semaphore, #tpu.memory_space<semaphore_mem>>)
      %dma_wait3A_32 = arith.constant 0 : i32
      %dma_wait3A_33 = tpu.memref_slice %arg7[%mul3A_4, %dma_wait3A_32] : memref<10000x64xf32, #tpu.memory_space<vmem_shared>> -> memref<625x64xf32, #tpu.memory_space<vmem_shared>>
      %dma_wait3A_34 = arith.constant 0 : i32
      %dma_wait3A_35 = tpu.memref_slice %arg5[%mul3A_2, %dma_wait3A_34] : memref<10000x64xf32, #tpu.memory_space<hbm>> -> memref<625x64xf32, #tpu.memory_space<hbm>>
      tpu.wait_dma2 semaphore(%run_scoped3A_27 : memref<!tpu.dma_semaphore, #tpu.memory_space<semaphore_mem>>) src(%dma_wait3A_35 : memref<625x64xf32, #tpu.memory_space<hbm>>) dst(%dma_wait3A_33 : memref<625x64xf32, #tpu.memory_space<vmem_shared>>)
      tpu.yield
    }) : () -> ()
    "tpu.region"() ({
      %run_scoped3A_27 = tpu.sem_alloc : memref<!tpu.dma_semaphore, #tpu.memory_space<semaphore_mem>>
      %dma_start3A_28 = arith.constant 0 : i32
      %dma_start3A_29 = arith.constant 0 : i32
      %dma_start3A_30 = tpu.memref_slice %arg3[%add3A, %dma_start3A_28, %dma_start3A_29] : memref<32x125x80xi32, #tpu.memory_space<hbm>> -> memref<1x125x80xi32, #tpu.memory_space<hbm>>
      %dma_start3A_31 = tpu.memref_squeeze %dma_start3A_30 : memref<1x125x80xi32, #tpu.memory_space<hbm>> -> memref<125x80xi32, #tpu.memory_space<hbm>>
      %dma_start3A_32 = arith.constant 0 : i32
      %dma_start3A_33 = arith.constant 0 : i32
      %dma_start3A_34 = tpu.memref_slice %arg3[%add3A, %dma_start3A_32, %dma_start3A_33] : memref<32x125x80xi32, #tpu.memory_space<hbm>> -> memref<1x125x80xi32, #tpu.memory_space<hbm>>
      %dma_start3A_35 = tpu.memref_squeeze %dma_start3A_34 : memref<1x125x80xi32, #tpu.memory_space<hbm>> -> memref<125x80xi32, #tpu.memory_space<hbm>>
      tpu.enqueue_dma source(%dma_start3A_35 : memref<125x80xi32, #tpu.memory_space<hbm>>) target(%arg8 : memref<125x80xi32, #tpu.memory_space<vmem>>) target_semaphore(%run_scoped3A_27 : memref<!tpu.dma_semaphore, #tpu.memory_space<semaphore_mem>>)
      %dma_wait3A_36 = arith.constant 0 : i32
      %dma_wait3A_37 = arith.constant 0 : i32
      %dma_wait3A_38 = tpu.memref_slice %arg3[%add3A, %dma_wait3A_36, %dma_wait3A_37] : memref<32x125x80xi32, #tpu.memory_space<hbm>> -> memref<1x125x80xi32, #tpu.memory_space<hbm>>
      %dma_wait3A_39 = tpu.memref_squeeze %dma_wait3A_38 : memref<1x125x80xi32, #tpu.memory_space<hbm>> -> memref<125x80xi32, #tpu.memory_space<hbm>>
      %dma_wait3A_40 = arith.constant 0 : i32
      %dma_wait3A_41 = arith.constant 0 : i32
      %dma_wait3A_42 = tpu.memref_slice %arg3[%add3A, %dma_wait3A_40, %dma_wait3A_41] : memref<32x125x80xi32, #tpu.memory_space<hbm>> -> memref<1x125x80xi32, #tpu.memory_space<hbm>>
      %dma_wait3A_43 = tpu.memref_squeeze %dma_wait3A_42 : memref<1x125x80xi32, #tpu.memory_space<hbm>> -> memref<125x80xi32, #tpu.memory_space<hbm>>
      tpu.wait_dma2 semaphore(%run_scoped3A_27 : memref<!tpu.dma_semaphore, #tpu.memory_space<semaphore_mem>>) src(%dma_wait3A_43 : memref<125x80xi32, #tpu.memory_space<hbm>>) dst(%arg8 : memref<125x80xi32, #tpu.memory_space<vmem>>)
      tpu.yield
    }) : () -> ()
    "tpu.region"() ({
      %run_scoped3A_27 = tpu.sem_alloc : memref<!tpu.dma_semaphore, #tpu.memory_space<semaphore_mem>>
      %dma_start3A_28 = arith.constant 0 : i32
      %dma_start3A_29 = arith.constant 0 : i32
      %dma_start3A_30 = tpu.memref_slice %arg4[%add3A, %dma_start3A_28, %dma_start3A_29] : memref<32x125x80xi32, #tpu.memory_space<hbm>> -> memref<1x125x80xi32, #tpu.memory_space<hbm>>
      %dma_start3A_31 = tpu.memref_squeeze %dma_start3A_30 : memref<1x125x80xi32, #tpu.memory_space<hbm>> -> memref<125x80xi32, #tpu.memory_space<hbm>>
      %dma_start3A_32 = arith.constant 0 : i32
      %dma_start3A_33 = arith.constant 0 : i32
      %dma_start3A_34 = tpu.memref_slice %arg4[%add3A, %dma_start3A_32, %dma_start3A_33] : memref<32x125x80xi32, #tpu.memory_space<hbm>> -> memref<1x125x80xi32, #tpu.memory_space<hbm>>
      %dma_start3A_35 = tpu.memref_squeeze %dma_start3A_34 : memref<1x125x80xi32, #tpu.memory_space<hbm>> -> memref<125x80xi32, #tpu.memory_space<hbm>>
      tpu.enqueue_dma source(%dma_start3A_35 : memref<125x80xi32, #tpu.memory_space<hbm>>) target(%arg9 : memref<125x80xi32, #tpu.memory_space<vmem>>) target_semaphore(%run_scoped3A_27 : memref<!tpu.dma_semaphore, #tpu.memory_space<semaphore_mem>>)
      %dma_wait3A_36 = arith.constant 0 : i32
      %dma_wait3A_37 = arith.constant 0 : i32
      %dma_wait3A_38 = tpu.memref_slice %arg4[%add3A, %dma_wait3A_36, %dma_wait3A_37] : memref<32x125x80xi32, #tpu.memory_space<hbm>> -> memref<1x125x80xi32, #tpu.memory_space<hbm>>
      %dma_wait3A_39 = tpu.memref_squeeze %dma_wait3A_38 : memref<1x125x80xi32, #tpu.memory_space<hbm>> -> memref<125x80xi32, #tpu.memory_space<hbm>>
      %dma_wait3A_40 = arith.constant 0 : i32
      %dma_wait3A_41 = arith.constant 0 : i32
      %dma_wait3A_42 = tpu.memref_slice %arg4[%add3A, %dma_wait3A_40, %dma_wait3A_41] : memref<32x125x80xi32, #tpu.memory_space<hbm>> -> memref<1x125x80xi32, #tpu.memory_space<hbm>>
      %dma_wait3A_43 = tpu.memref_squeeze %dma_wait3A_42 : memref<1x125x80xi32, #tpu.memory_space<hbm>> -> memref<125x80xi32, #tpu.memory_space<hbm>>
      tpu.wait_dma2 semaphore(%run_scoped3A_27 : memref<!tpu.dma_semaphore, #tpu.memory_space<semaphore_mem>>) src(%dma_wait3A_43 : memref<125x80xi32, #tpu.memory_space<hbm>>) dst(%arg9 : memref<125x80xi32, #tpu.memory_space<vmem>>)
      tpu.yield
    }) : () -> ()
    %barrier3A = arith.constant 0 : index
    tpu.barrier barrier_id(%barrier3A)
    %dma_start3A = arith.constant 0 : i32
    %dma_start3A_5 = arith.constant 0 : i32
    %dma_start3A_6 = tpu.memref_slice %arg8[%dma_start3A, %dma_start3A_5] : memref<125x80xi32, #tpu.memory_space<vmem>> -> memref<1x80xi32, #tpu.memory_space<vmem>>
    %dma_start3A_7 = tpu.memref_squeeze %dma_start3A_6 : memref<1x80xi32, #tpu.memory_space<vmem>> -> memref<80xi32, #tpu.memory_space<vmem>>
    %dma_start3A_8 = arith.constant 0 : i32
    %dma_start3A_9 = arith.constant 0 : i32
    %dma_start3A_10 = tpu.memref_slice %arg2[%dma_start3A_8, %dma_start3A_9] : memref<10000x64xf32, #tpu.memory_space<hbm>> -> memref<10000x64xf32, #tpu.memory_space<hbm>>
    tpu.enqueue_indirect_dma source(%dma_start3A_10 : memref<10000x64xf32, #tpu.memory_space<hbm>>) target(%arg10 : memref<80x64xf32, #tpu.memory_space<vmem>>) offsets(%dma_start3A_7 : memref<80xi32, #tpu.memory_space<vmem>>) semaphore(%arg12 : memref<!tpu.dma_semaphore, #tpu.memory_space<semaphore_mem>>)
    %scan3A = arith.constant 0 : i32
    %scan3A_11 = arith.constant 0 : i32
    %scan3A_12 = arith.constant 62 : i32
    %scan3A_13 = arith.addi %scan3A_11, %scan3A_12 : i32
    %scan3A_14 = arith.constant 1 : i32
    scf.for %scan3A_27 = %scan3A_11 to %scan3A_13 step %scan3A_14  : i32 {
      %mul3A_28 = arith.constant 2 : i32
      %mul3A_29 = arith.muli %mul3A_28, %scan3A_27 : i32
      %add3A_30 = arith.constant 1 : i32
      %add3A_31 = arith.addi %mul3A_29, %add3A_30 : i32
      %dma_start3A_32 = arith.constant 0 : i32
      %dma_start3A_33 = tpu.memref_slice %arg8[%add3A_31, %dma_start3A_32] : memref<125x80xi32, #tpu.memory_space<vmem>> -> memref<1x80xi32, #tpu.memory_space<vmem>>
      %dma_start3A_34 = tpu.memref_squeeze %dma_start3A_33 : memref<1x80xi32, #tpu.memory_space<vmem>> -> memref<80xi32, #tpu.memory_space<vmem>>
      %dma_start3A_35 = arith.constant 0 : i32
      %dma_start3A_36 = arith.constant 0 : i32
      %dma_start3A_37 = tpu.memref_slice %arg2[%dma_start3A_35, %dma_start3A_36] : memref<10000x64xf32, #tpu.memory_space<hbm>> -> memref<10000x64xf32, #tpu.memory_space<hbm>>
      tpu.enqueue_indirect_dma source(%dma_start3A_37 : memref<10000x64xf32, #tpu.memory_space<hbm>>) target(%arg11 : memref<80x64xf32, #tpu.memory_space<vmem>>) offsets(%dma_start3A_34 : memref<80xi32, #tpu.memory_space<vmem>>) semaphore(%arg13 : memref<!tpu.dma_semaphore, #tpu.memory_space<semaphore_mem>>)
      %dma_wait3A_38 = arith.constant 0 : i32
      %dma_wait3A_39 = tpu.memref_slice %arg8[%mul3A_29, %dma_wait3A_38] : memref<125x80xi32, #tpu.memory_space<vmem>> -> memref<1x80xi32, #tpu.memory_space<vmem>>
      %dma_wait3A_40 = tpu.memref_squeeze %dma_wait3A_39 : memref<1x80xi32, #tpu.memory_space<vmem>> -> memref<80xi32, #tpu.memory_space<vmem>>
      %dma_wait3A_41 = arith.constant 0 : i32
      %dma_wait3A_42 = arith.constant 0 : i32
      %dma_wait3A_43 = tpu.memref_slice %arg2[%dma_wait3A_41, %dma_wait3A_42] : memref<10000x64xf32, #tpu.memory_space<hbm>> -> memref<10000x64xf32, #tpu.memory_space<hbm>>
      tpu.wait_indirect_dma semaphore(%arg12 : memref<!tpu.dma_semaphore, #tpu.memory_space<semaphore_mem>>) src(%dma_wait3A_43 : memref<10000x64xf32, #tpu.memory_space<hbm>>) dst(%arg10 : memref<80x64xf32, #tpu.memory_space<vmem>>)
      "tpu.region"() ({
        %run_scoped3A_62 = tpu.sem_alloc : memref<!tpu.dma_semaphore, #tpu.memory_space<semaphore_mem>>
        %dma_start3A_63 = arith.constant 0 : i32
        %dma_start3A_64 = tpu.memref_slice %arg9[%mul3A_29, %dma_start3A_63] : memref<125x80xi32, #tpu.memory_space<vmem>> -> memref<1x80xi32, #tpu.memory_space<vmem>>
        %dma_start3A_65 = tpu.memref_squeeze %dma_start3A_64 : memref<1x80xi32, #tpu.memory_space<vmem>> -> memref<80xi32, #tpu.memory_space<vmem>>
        %dma_start3A_66 = arith.constant 0 : i32
        %dma_start3A_67 = arith.constant 0 : i32
        %dma_start3A_68 = tpu.memref_slice %arg7[%dma_start3A_66, %dma_start3A_67] : memref<10000x64xf32, #tpu.memory_space<vmem_shared>> -> memref<10000x64xf32, #tpu.memory_space<vmem_shared>>
        tpu.enqueue_indirect_dma source(%arg10 : memref<80x64xf32, #tpu.memory_space<vmem>>) target(%dma_start3A_68 : memref<10000x64xf32, #tpu.memory_space<vmem_shared>>) offsets(%dma_start3A_65 : memref<80xi32, #tpu.memory_space<vmem>>) semaphore(%run_scoped3A_62 : memref<!tpu.dma_semaphore, #tpu.memory_space<semaphore_mem>>) {add = true}
        %dma_wait3A_69 = arith.constant 0 : i32
        %dma_wait3A_70 = tpu.memref_slice %arg9[%mul3A_29, %dma_wait3A_69] : memref<125x80xi32, #tpu.memory_space<vmem>> -> memref<1x80xi32, #tpu.memory_space<vmem>>
        %dma_wait3A_71 = tpu.memref_squeeze %dma_wait3A_70 : memref<1x80xi32, #tpu.memory_space<vmem>> -> memref<80xi32, #tpu.memory_space<vmem>>
        %dma_wait3A_72 = arith.constant 0 : i32
        %dma_wait3A_73 = arith.constant 0 : i32
        %dma_wait3A_74 = tpu.memref_slice %arg7[%dma_wait3A_72, %dma_wait3A_73] : memref<10000x64xf32, #tpu.memory_space<vmem_shared>> -> memref<10000x64xf32, #tpu.memory_space<vmem_shared>>
        tpu.wait_indirect_dma semaphore(%run_scoped3A_62 : memref<!tpu.dma_semaphore, #tpu.memory_space<semaphore_mem>>) src(%arg10 : memref<80x64xf32, #tpu.memory_space<vmem>>) dst(%dma_wait3A_74 : memref<10000x64xf32, #tpu.memory_space<vmem_shared>>)
        tpu.yield
      }) : () -> ()
      %add3A_44 = arith.constant 2 : i32
      %add3A_45 = arith.addi %mul3A_29, %add3A_44 : i32
      %dma_start3A_46 = arith.constant 0 : i32
      %dma_start3A_47 = tpu.memref_slice %arg8[%add3A_45, %dma_start3A_46] : memref<125x80xi32, #tpu.memory_space<vmem>> -> memref<1x80xi32, #tpu.memory_space<vmem>>
      %dma_start3A_48 = tpu.memref_squeeze %dma_start3A_47 : memref<1x80xi32, #tpu.memory_space<vmem>> -> memref<80xi32, #tpu.memory_space<vmem>>
      %dma_start3A_49 = arith.constant 0 : i32
      %dma_start3A_50 = arith.constant 0 : i32
      %dma_start3A_51 = tpu.memref_slice %arg2[%dma_start3A_49, %dma_start3A_50] : memref<10000x64xf32, #tpu.memory_space<hbm>> -> memref<10000x64xf32, #tpu.memory_space<hbm>>
      tpu.enqueue_indirect_dma source(%dma_start3A_51 : memref<10000x64xf32, #tpu.memory_space<hbm>>) target(%arg10 : memref<80x64xf32, #tpu.memory_space<vmem>>) offsets(%dma_start3A_48 : memref<80xi32, #tpu.memory_space<vmem>>) semaphore(%arg12 : memref<!tpu.dma_semaphore, #tpu.memory_space<semaphore_mem>>)
      %add3A_52 = arith.constant 1 : i32
      %add3A_53 = arith.addi %mul3A_29, %add3A_52 : i32
      %dma_wait3A_54 = arith.constant 0 : i32
      %dma_wait3A_55 = tpu.memref_slice %arg8[%add3A_53, %dma_wait3A_54] : memref<125x80xi32, #tpu.memory_space<vmem>> -> memref<1x80xi32, #tpu.memory_space<vmem>>
      %dma_wait3A_56 = tpu.memref_squeeze %dma_wait3A_55 : memref<1x80xi32, #tpu.memory_space<vmem>> -> memref<80xi32, #tpu.memory_space<vmem>>
      %dma_wait3A_57 = arith.constant 0 : i32
      %dma_wait3A_58 = arith.constant 0 : i32
      %dma_wait3A_59 = tpu.memref_slice %arg2[%dma_wait3A_57, %dma_wait3A_58] : memref<10000x64xf32, #tpu.memory_space<hbm>> -> memref<10000x64xf32, #tpu.memory_space<hbm>>
      tpu.wait_indirect_dma semaphore(%arg13 : memref<!tpu.dma_semaphore, #tpu.memory_space<semaphore_mem>>) src(%dma_wait3A_59 : memref<10000x64xf32, #tpu.memory_space<hbm>>) dst(%arg11 : memref<80x64xf32, #tpu.memory_space<vmem>>)
      %add3A_60 = arith.constant 1 : i32
      %add3A_61 = arith.addi %mul3A_29, %add3A_60 : i32
      "tpu.region"() ({
        %run_scoped3A_62 = tpu.sem_alloc : memref<!tpu.dma_semaphore, #tpu.memory_space<semaphore_mem>>
        %dma_start3A_63 = arith.constant 0 : i32
        %dma_start3A_64 = tpu.memref_slice %arg9[%add3A_61, %dma_start3A_63] : memref<125x80xi32, #tpu.memory_space<vmem>> -> memref<1x80xi32, #tpu.memory_space<vmem>>
        %dma_start3A_65 = tpu.memref_squeeze %dma_start3A_64 : memref<1x80xi32, #tpu.memory_space<vmem>> -> memref<80xi32, #tpu.memory_space<vmem>>
        %dma_start3A_66 = arith.constant 0 : i32
        %dma_start3A_67 = arith.constant 0 : i32
        %dma_start3A_68 = tpu.memref_slice %arg7[%dma_start3A_66, %dma_start3A_67] : memref<10000x64xf32, #tpu.memory_space<vmem_shared>> -> memref<10000x64xf32, #tpu.memory_space<vmem_shared>>
        tpu.enqueue_indirect_dma source(%arg11 : memref<80x64xf32, #tpu.memory_space<vmem>>) target(%dma_start3A_68 : memref<10000x64xf32, #tpu.memory_space<vmem_shared>>) offsets(%dma_start3A_65 : memref<80xi32, #tpu.memory_space<vmem>>) semaphore(%run_scoped3A_62 : memref<!tpu.dma_semaphore, #tpu.memory_space<semaphore_mem>>) {add = true}
        %dma_wait3A_69 = arith.constant 0 : i32
        %dma_wait3A_70 = tpu.memref_slice %arg9[%add3A_61, %dma_wait3A_69] : memref<125x80xi32, #tpu.memory_space<vmem>> -> memref<1x80xi32, #tpu.memory_space<vmem>>
        %dma_wait3A_71 = tpu.memref_squeeze %dma_wait3A_70 : memref<1x80xi32, #tpu.memory_space<vmem>> -> memref<80xi32, #tpu.memory_space<vmem>>
        %dma_wait3A_72 = arith.constant 0 : i32
        %dma_wait3A_73 = arith.constant 0 : i32
        %dma_wait3A_74 = tpu.memref_slice %arg7[%dma_wait3A_72, %dma_wait3A_73] : memref<10000x64xf32, #tpu.memory_space<vmem_shared>> -> memref<10000x64xf32, #tpu.memory_space<vmem_shared>>
        tpu.wait_indirect_dma semaphore(%run_scoped3A_62 : memref<!tpu.dma_semaphore, #tpu.memory_space<semaphore_mem>>) src(%arg11 : memref<80x64xf32, #tpu.memory_space<vmem>>) dst(%dma_wait3A_74 : memref<10000x64xf32, #tpu.memory_space<vmem_shared>>)
        tpu.yield
      }) : () -> ()
    }
    %scan3A_15 = arith.constant 62 : i32
    %dma_wait3A = arith.constant 124 : i32
    %dma_wait3A_16 = arith.constant 0 : i32
    %dma_wait3A_17 = tpu.memref_slice %arg8[%dma_wait3A, %dma_wait3A_16] : memref<125x80xi32, #tpu.memory_space<vmem>> -> memref<1x80xi32, #tpu.memory_space<vmem>>
    %dma_wait3A_18 = tpu.memref_squeeze %dma_wait3A_17 : memref<1x80xi32, #tpu.memory_space<vmem>> -> memref<80xi32, #tpu.memory_space<vmem>>
    %dma_wait3A_19 = arith.constant 0 : i32
    %dma_wait3A_20 = arith.constant 0 : i32
    %dma_wait3A_21 = tpu.memref_slice %arg2[%dma_wait3A_19, %dma_wait3A_20] : memref<10000x64xf32, #tpu.memory_space<hbm>> -> memref<10000x64xf32, #tpu.memory_space<hbm>>
    tpu.wait_indirect_dma semaphore(%arg12 : memref<!tpu.dma_semaphore, #tpu.memory_space<semaphore_mem>>) src(%dma_wait3A_21 : memref<10000x64xf32, #tpu.memory_space<hbm>>) dst(%arg10 : memref<80x64xf32, #tpu.memory_space<vmem>>)
    %run_scoped3A = arith.constant 124 : i32
    "tpu.region"() ({
      %run_scoped3A_27 = tpu.sem_alloc : memref<!tpu.dma_semaphore, #tpu.memory_space<semaphore_mem>>
      %dma_start3A_28 = arith.constant 0 : i32
      %dma_start3A_29 = tpu.memref_slice %arg9[%run_scoped3A, %dma_start3A_28] : memref<125x80xi32, #tpu.memory_space<vmem>> -> memref<1x80xi32, #tpu.memory_space<vmem>>
      %dma_start3A_30 = tpu.memref_squeeze %dma_start3A_29 : memref<1x80xi32, #tpu.memory_space<vmem>> -> memref<80xi32, #tpu.memory_space<vmem>>
      %dma_start3A_31 = arith.constant 0 : i32
      %dma_start3A_32 = arith.constant 0 : i32
      %dma_start3A_33 = tpu.memref_slice %arg7[%dma_start3A_31, %dma_start3A_32] : memref<10000x64xf32, #tpu.memory_space<vmem_shared>> -> memref<10000x64xf32, #tpu.memory_space<vmem_shared>>
      tpu.enqueue_indirect_dma source(%arg10 : memref<80x64xf32, #tpu.memory_space<vmem>>) target(%dma_start3A_33 : memref<10000x64xf32, #tpu.memory_space<vmem_shared>>) offsets(%dma_start3A_30 : memref<80xi32, #tpu.memory_space<vmem>>) semaphore(%run_scoped3A_27 : memref<!tpu.dma_semaphore, #tpu.memory_space<semaphore_mem>>) {add = true}
      %dma_wait3A_34 = arith.constant 0 : i32
      %dma_wait3A_35 = tpu.memref_slice %arg9[%run_scoped3A, %dma_wait3A_34] : memref<125x80xi32, #tpu.memory_space<vmem>> -> memref<1x80xi32, #tpu.memory_space<vmem>>
      %dma_wait3A_36 = tpu.memref_squeeze %dma_wait3A_35 : memref<1x80xi32, #tpu.memory_space<vmem>> -> memref<80xi32, #tpu.memory_space<vmem>>
      %dma_wait3A_37 = arith.constant 0 : i32
      %dma_wait3A_38 = arith.constant 0 : i32
      %dma_wait3A_39 = tpu.memref_slice %arg7[%dma_wait3A_37, %dma_wait3A_38] : memref<10000x64xf32, #tpu.memory_space<vmem_shared>> -> memref<10000x64xf32, #tpu.memory_space<vmem_shared>>
      tpu.wait_indirect_dma semaphore(%run_scoped3A_27 : memref<!tpu.dma_semaphore, #tpu.memory_space<semaphore_mem>>) src(%arg10 : memref<80x64xf32, #tpu.memory_space<vmem>>) dst(%dma_wait3A_39 : memref<10000x64xf32, #tpu.memory_space<vmem_shared>>)
      tpu.yield
    }) : () -> ()
    %barrier3A_22 = arith.constant 0 : index
    tpu.barrier barrier_id(%barrier3A_22)
    %mul3A_23 = arith.constant 625 : i32
    %mul3A_24 = arith.muli %arg1, %mul3A_23 : i32
    %mul3A_25 = arith.constant 625 : i32
    %mul3A_26 = arith.muli %arg1, %mul3A_25 : i32
    "tpu.region"() ({
      %run_scoped3A_27 = tpu.sem_alloc : memref<!tpu.dma_semaphore, #tpu.memory_space<semaphore_mem>>
      %dma_start3A_28 = arith.constant 0 : i32
      %dma_start3A_29 = tpu.memref_slice %arg6[%arg0, %mul3A_26, %dma_start3A_28] : memref<2x10000x64xf32, #tpu.memory_space<hbm>> -> memref<1x625x64xf32, #tpu.memory_space<hbm>>
      %dma_start3A_30 = tpu.memref_squeeze %dma_start3A_29 : memref<1x625x64xf32, #tpu.memory_space<hbm>> -> memref<625x64xf32, #tpu.memory_space<hbm>>
      %dma_start3A_31 = arith.constant 0 : i32
      %dma_start3A_32 = tpu.memref_slice %arg7[%mul3A_24, %dma_start3A_31] : memref<10000x64xf32, #tpu.memory_space<vmem_shared>> -> memref<625x64xf32, #tpu.memory_space<vmem_shared>>
      tpu.enqueue_dma source(%dma_start3A_32 : memref<625x64xf32, #tpu.memory_space<vmem_shared>>) target(%dma_start3A_30 : memref<625x64xf32, #tpu.memory_space<hbm>>) target_semaphore(%run_scoped3A_27 : memref<!tpu.dma_semaphore, #tpu.memory_space<semaphore_mem>>)
      %dma_wait3A_33 = arith.constant 0 : i32
      %dma_wait3A_34 = tpu.memref_slice %arg6[%arg0, %mul3A_26, %dma_wait3A_33] : memref<2x10000x64xf32, #tpu.memory_space<hbm>> -> memref<1x625x64xf32, #tpu.memory_space<hbm>>
      %dma_wait3A_35 = tpu.memref_squeeze %dma_wait3A_34 : memref<1x625x64xf32, #tpu.memory_space<hbm>> -> memref<625x64xf32, #tpu.memory_space<hbm>>
      %dma_wait3A_36 = arith.constant 0 : i32
      %dma_wait3A_37 = tpu.memref_slice %arg7[%mul3A_24, %dma_wait3A_36] : memref<10000x64xf32, #tpu.memory_space<vmem_shared>> -> memref<625x64xf32, #tpu.memory_space<vmem_shared>>
      tpu.wait_dma2 semaphore(%run_scoped3A_27 : memref<!tpu.dma_semaphore, #tpu.memory_space<semaphore_mem>>) src(%dma_wait3A_37 : memref<625x64xf32, #tpu.memory_space<vmem_shared>>) dst(%dma_wait3A_35 : memref<625x64xf32, #tpu.memory_space<hbm>>)
      tpu.yield
    }) : () -> ()
    return
  }
}

#map = affine_map<(d0, d1) -> (0, 0)>
#map1 = affine_map<(d0, d1) -> (0, 0, 0)>
module attributes {stable_mosaic.version = 14 : i64} {
  func.func @edge_kernel(%arg0: i32, %arg1: i32, %arg2: memref<10000x64xf32, #tpu.memory_space<hbm>>, %arg3: memref<32x125x80xi32, #tpu.memory_space<hbm>>, %arg4: memref<32x125x80xi32, #tpu.memory_space<hbm>>, %arg5: memref<10000x64xf32, #tpu.memory_space<hbm>>, %arg6: memref<2x10000x64xf32, #tpu.memory_space<hbm>>, %arg7: memref<10000x64xf32, #tpu.memory_space<vmem_shared>>, %arg8: memref<125x80xi32, #tpu.memory_space<vmem>>, %arg9: memref<125x80xi32, #tpu.memory_space<vmem>>, %arg10: memref<80x64xf32, #tpu.memory_space<vmem>>, %arg11: memref<80x64xf32, #tpu.memory_space<vmem>>, %arg12: memref<!tpu.dma_semaphore, #tpu.memory_space<semaphore_mem>>, %arg13: memref<!tpu.dma_semaphore, #tpu.memory_space<semaphore_mem>>) attributes {dimension_semantics = [#tpu.dimension_semantics<core_parallel>, #tpu.dimension_semantics<subcore_parallel>], iteration_bounds = array<i64: 2, 16>, scalar_prefetch = 0 : i64, scratch_operands = 7 : i64, tpu.core_type = #tpu.core_type<sc_vector_subcore>, window_params = [{transform_indices = #map}, {transform_indices = #map1}, {transform_indices = #map1}, {transform_indices = #map}, {transform_indices = #map1}]} {
    %mul3A = arith.constant 2 : i32
    %mul3A_0 = arith.muli %arg1, %mul3A : i32
    %add3A = arith.addi %mul3A_0, %arg0 : i32
    %mul3A_1 = arith.constant 625 : i32
    %mul3A_2 = arith.muli %arg1, %mul3A_1 : i32
    %mul3A_3 = arith.constant 625 : i32
    %mul3A_4 = arith.muli %arg1, %mul3A_3 : i32
    "tpu.region"() ({
      %run_scoped3A_27 = tpu.sem_alloc : memref<!tpu.dma_semaphore, #tpu.memory_space<semaphore_mem>>
      %dma_start3A_28 = arith.constant 0 : i32
      %dma_start3A_29 = tpu.memref_slice %arg7[%mul3A_4, %dma_start3A_28] : memref<10000x64xf32, #tpu.memory_space<vmem_shared>> -> memref<625x64xf32, #tpu.memory_space<vmem_shared>>
      %dma_start3A_30 = arith.constant 0 : i32
      %dma_start3A_31 = tpu.memref_slice %arg5[%mul3A_2, %dma_start3A_30] : memref<10000x64xf32, #tpu.memory_space<hbm>> -> memref<625x64xf32, #tpu.memory_space<hbm>>
      tpu.enqueue_dma source(%dma_start3A_31 : memref<625x64xf32, #tpu.memory_space<hbm>>) target(%dma_start3A_29 : memref<625x64xf32, #tpu.memory_space<vmem_shared>>) target_semaphore(%run_scoped3A_27 : memref<!tpu.dma_semaphore, #tpu.memory_space<semaphore_mem>>)
      %dma_wait3A_32 = arith.constant 0 : i32
      %dma_wait3A_33 = tpu.memref_slice %arg7[%mul3A_4, %dma_wait3A_32] : memref<10000x64xf32, #tpu.memory_space<vmem_shared>> -> memref<625x64xf32, #tpu.memory_space<vmem_shared>>
      %dma_wait3A_34 = arith.constant 0 : i32
      %dma_wait3A_35 = tpu.memref_slice %arg5[%mul3A_2, %dma_wait3A_34] : memref<10000x64xf32, #tpu.memory_space<hbm>> -> memref<625x64xf32, #tpu.memory_space<hbm>>
      tpu.wait_dma2 semaphore(%run_scoped3A_27 : memref<!tpu.dma_semaphore, #tpu.memory_space<semaphore_mem>>) src(%dma_wait3A_35 : memref<625x64xf32, #tpu.memory_space<hbm>>) dst(%dma_wait3A_33 : memref<625x64xf32, #tpu.memory_space<vmem_shared>>)
      tpu.yield
    }) : () -> ()
    "tpu.region"() ({
      %run_scoped3A_27 = tpu.sem_alloc : memref<!tpu.dma_semaphore, #tpu.memory_space<semaphore_mem>>
      %dma_start3A_28 = arith.constant 0 : i32
      %dma_start3A_29 = arith.constant 0 : i32
      %dma_start3A_30 = tpu.memref_slice %arg3[%add3A, %dma_start3A_28, %dma_start3A_29] : memref<32x125x80xi32, #tpu.memory_space<hbm>> -> memref<1x125x80xi32, #tpu.memory_space<hbm>>
      %dma_start3A_31 = tpu.memref_squeeze %dma_start3A_30 : memref<1x125x80xi32, #tpu.memory_space<hbm>> -> memref<125x80xi32, #tpu.memory_space<hbm>>
      %dma_start3A_32 = arith.constant 0 : i32
      %dma_start3A_33 = arith.constant 0 : i32
      %dma_start3A_34 = tpu.memref_slice %arg3[%add3A, %dma_start3A_32, %dma_start3A_33] : memref<32x125x80xi32, #tpu.memory_space<hbm>> -> memref<1x125x80xi32, #tpu.memory_space<hbm>>
      %dma_start3A_35 = tpu.memref_squeeze %dma_start3A_34 : memref<1x125x80xi32, #tpu.memory_space<hbm>> -> memref<125x80xi32, #tpu.memory_space<hbm>>
      tpu.enqueue_dma source(%dma_start3A_35 : memref<125x80xi32, #tpu.memory_space<hbm>>) target(%arg8 : memref<125x80xi32, #tpu.memory_space<vmem>>) target_semaphore(%run_scoped3A_27 : memref<!tpu.dma_semaphore, #tpu.memory_space<semaphore_mem>>)
      %dma_wait3A_36 = arith.constant 0 : i32
      %dma_wait3A_37 = arith.constant 0 : i32
      %dma_wait3A_38 = tpu.memref_slice %arg3[%add3A, %dma_wait3A_36, %dma_wait3A_37] : memref<32x125x80xi32, #tpu.memory_space<hbm>> -> memref<1x125x80xi32, #tpu.memory_space<hbm>>
      %dma_wait3A_39 = tpu.memref_squeeze %dma_wait3A_38 : memref<1x125x80xi32, #tpu.memory_space<hbm>> -> memref<125x80xi32, #tpu.memory_space<hbm>>
      %dma_wait3A_40 = arith.constant 0 : i32
      %dma_wait3A_41 = arith.constant 0 : i32
      %dma_wait3A_42 = tpu.memref_slice %arg3[%add3A, %dma_wait3A_40, %dma_wait3A_41] : memref<32x125x80xi32, #tpu.memory_space<hbm>> -> memref<1x125x80xi32, #tpu.memory_space<hbm>>
      %dma_wait3A_43 = tpu.memref_squeeze %dma_wait3A_42 : memref<1x125x80xi32, #tpu.memory_space<hbm>> -> memref<125x80xi32, #tpu.memory_space<hbm>>
      tpu.wait_dma2 semaphore(%run_scoped3A_27 : memref<!tpu.dma_semaphore, #tpu.memory_space<semaphore_mem>>) src(%dma_wait3A_43 : memref<125x80xi32, #tpu.memory_space<hbm>>) dst(%arg8 : memref<125x80xi32, #tpu.memory_space<vmem>>)
      tpu.yield
    }) : () -> ()
    "tpu.region"() ({
      %run_scoped3A_27 = tpu.sem_alloc : memref<!tpu.dma_semaphore, #tpu.memory_space<semaphore_mem>>
      %dma_start3A_28 = arith.constant 0 : i32
      %dma_start3A_29 = arith.constant 0 : i32
      %dma_start3A_30 = tpu.memref_slice %arg4[%add3A, %dma_start3A_28, %dma_start3A_29] : memref<32x125x80xi32, #tpu.memory_space<hbm>> -> memref<1x125x80xi32, #tpu.memory_space<hbm>>
      %dma_start3A_31 = tpu.memref_squeeze %dma_start3A_30 : memref<1x125x80xi32, #tpu.memory_space<hbm>> -> memref<125x80xi32, #tpu.memory_space<hbm>>
      %dma_start3A_32 = arith.constant 0 : i32
      %dma_start3A_33 = arith.constant 0 : i32
      %dma_start3A_34 = tpu.memref_slice %arg4[%add3A, %dma_start3A_32, %dma_start3A_33] : memref<32x125x80xi32, #tpu.memory_space<hbm>> -> memref<1x125x80xi32, #tpu.memory_space<hbm>>
      %dma_start3A_35 = tpu.memref_squeeze %dma_start3A_34 : memref<1x125x80xi32, #tpu.memory_space<hbm>> -> memref<125x80xi32, #tpu.memory_space<hbm>>
      tpu.enqueue_dma source(%dma_start3A_35 : memref<125x80xi32, #tpu.memory_space<hbm>>) target(%arg9 : memref<125x80xi32, #tpu.memory_space<vmem>>) target_semaphore(%run_scoped3A_27 : memref<!tpu.dma_semaphore, #tpu.memory_space<semaphore_mem>>)
      %dma_wait3A_36 = arith.constant 0 : i32
      %dma_wait3A_37 = arith.constant 0 : i32
      %dma_wait3A_38 = tpu.memref_slice %arg4[%add3A, %dma_wait3A_36, %dma_wait3A_37] : memref<32x125x80xi32, #tpu.memory_space<hbm>> -> memref<1x125x80xi32, #tpu.memory_space<hbm>>
      %dma_wait3A_39 = tpu.memref_squeeze %dma_wait3A_38 : memref<1x125x80xi32, #tpu.memory_space<hbm>> -> memref<125x80xi32, #tpu.memory_space<hbm>>
      %dma_wait3A_40 = arith.constant 0 : i32
      %dma_wait3A_41 = arith.constant 0 : i32
      %dma_wait3A_42 = tpu.memref_slice %arg4[%add3A, %dma_wait3A_40, %dma_wait3A_41] : memref<32x125x80xi32, #tpu.memory_space<hbm>> -> memref<1x125x80xi32, #tpu.memory_space<hbm>>
      %dma_wait3A_43 = tpu.memref_squeeze %dma_wait3A_42 : memref<1x125x80xi32, #tpu.memory_space<hbm>> -> memref<125x80xi32, #tpu.memory_space<hbm>>
      tpu.wait_dma2 semaphore(%run_scoped3A_27 : memref<!tpu.dma_semaphore, #tpu.memory_space<semaphore_mem>>) src(%dma_wait3A_43 : memref<125x80xi32, #tpu.memory_space<hbm>>) dst(%arg9 : memref<125x80xi32, #tpu.memory_space<vmem>>)
      tpu.yield
    }) : () -> ()
    %barrier3A = arith.constant 0 : index
    tpu.barrier barrier_id(%barrier3A)
    %dma_start3A = arith.constant 0 : i32
    %dma_start3A_5 = arith.constant 0 : i32
    %dma_start3A_6 = tpu.memref_slice %arg8[%dma_start3A, %dma_start3A_5] : memref<125x80xi32, #tpu.memory_space<vmem>> -> memref<1x80xi32, #tpu.memory_space<vmem>>
    %dma_start3A_7 = tpu.memref_squeeze %dma_start3A_6 : memref<1x80xi32, #tpu.memory_space<vmem>> -> memref<80xi32, #tpu.memory_space<vmem>>
    %dma_start3A_8 = arith.constant 0 : i32
    %dma_start3A_9 = arith.constant 0 : i32
    %dma_start3A_10 = tpu.memref_slice %arg2[%dma_start3A_8, %dma_start3A_9] : memref<10000x64xf32, #tpu.memory_space<hbm>> -> memref<10000x64xf32, #tpu.memory_space<hbm>>
    tpu.enqueue_indirect_dma source(%dma_start3A_10 : memref<10000x64xf32, #tpu.memory_space<hbm>>) target(%arg10 : memref<80x64xf32, #tpu.memory_space<vmem>>) offsets(%dma_start3A_7 : memref<80xi32, #tpu.memory_space<vmem>>) semaphore(%arg12 : memref<!tpu.dma_semaphore, #tpu.memory_space<semaphore_mem>>)
    %scan3A = arith.constant 0 : i32
    %scan3A_11 = arith.constant 0 : i32
    %scan3A_12 = arith.constant 62 : i32
    %scan3A_13 = arith.addi %scan3A_11, %scan3A_12 : i32
    %scan3A_14 = arith.constant 1 : i32
    scf.for %scan3A_27 = %scan3A_11 to %scan3A_13 step %scan3A_14  : i32 {
      %mul3A_28 = arith.constant 2 : i32
      %mul3A_29 = arith.muli %mul3A_28, %scan3A_27 : i32
      %add3A_30 = arith.constant 1 : i32
      %add3A_31 = arith.addi %mul3A_29, %add3A_30 : i32
      %dma_start3A_32 = arith.constant 0 : i32
      %dma_start3A_33 = tpu.memref_slice %arg8[%add3A_31, %dma_start3A_32] : memref<125x80xi32, #tpu.memory_space<vmem>> -> memref<1x80xi32, #tpu.memory_space<vmem>>
      %dma_start3A_34 = tpu.memref_squeeze %dma_start3A_33 : memref<1x80xi32, #tpu.memory_space<vmem>> -> memref<80xi32, #tpu.memory_space<vmem>>
      %dma_start3A_35 = arith.constant 0 : i32
      %dma_start3A_36 = arith.constant 0 : i32
      %dma_start3A_37 = tpu.memref_slice %arg2[%dma_start3A_35, %dma_start3A_36] : memref<10000x64xf32, #tpu.memory_space<hbm>> -> memref<10000x64xf32, #tpu.memory_space<hbm>>
      tpu.enqueue_indirect_dma source(%dma_start3A_37 : memref<10000x64xf32, #tpu.memory_space<hbm>>) target(%arg11 : memref<80x64xf32, #tpu.memory_space<vmem>>) offsets(%dma_start3A_34 : memref<80xi32, #tpu.memory_space<vmem>>) semaphore(%arg13 : memref<!tpu.dma_semaphore, #tpu.memory_space<semaphore_mem>>)
      %dma_wait3A_38 = arith.constant 0 : i32
      %dma_wait3A_39 = tpu.memref_slice %arg8[%mul3A_29, %dma_wait3A_38] : memref<125x80xi32, #tpu.memory_space<vmem>> -> memref<1x80xi32, #tpu.memory_space<vmem>>
      %dma_wait3A_40 = tpu.memref_squeeze %dma_wait3A_39 : memref<1x80xi32, #tpu.memory_space<vmem>> -> memref<80xi32, #tpu.memory_space<vmem>>
      %dma_wait3A_41 = arith.constant 0 : i32
      %dma_wait3A_42 = arith.constant 0 : i32
      %dma_wait3A_43 = tpu.memref_slice %arg2[%dma_wait3A_41, %dma_wait3A_42] : memref<10000x64xf32, #tpu.memory_space<hbm>> -> memref<10000x64xf32, #tpu.memory_space<hbm>>
      tpu.wait_indirect_dma semaphore(%arg12 : memref<!tpu.dma_semaphore, #tpu.memory_space<semaphore_mem>>) src(%dma_wait3A_43 : memref<10000x64xf32, #tpu.memory_space<hbm>>) dst(%arg10 : memref<80x64xf32, #tpu.memory_space<vmem>>)
      "tpu.region"() ({
        %run_scoped3A_62 = tpu.sem_alloc : memref<!tpu.dma_semaphore, #tpu.memory_space<semaphore_mem>>
        %dma_start3A_63 = arith.constant 0 : i32
        %dma_start3A_64 = tpu.memref_slice %arg9[%mul3A_29, %dma_start3A_63] : memref<125x80xi32, #tpu.memory_space<vmem>> -> memref<1x80xi32, #tpu.memory_space<vmem>>
        %dma_start3A_65 = tpu.memref_squeeze %dma_start3A_64 : memref<1x80xi32, #tpu.memory_space<vmem>> -> memref<80xi32, #tpu.memory_space<vmem>>
        %dma_start3A_66 = arith.constant 0 : i32
        %dma_start3A_67 = arith.constant 0 : i32
        %dma_start3A_68 = tpu.memref_slice %arg7[%dma_start3A_66, %dma_start3A_67] : memref<10000x64xf32, #tpu.memory_space<vmem_shared>> -> memref<10000x64xf32, #tpu.memory_space<vmem_shared>>
        tpu.enqueue_indirect_dma source(%arg10 : memref<80x64xf32, #tpu.memory_space<vmem>>) target(%dma_start3A_68 : memref<10000x64xf32, #tpu.memory_space<vmem_shared>>) offsets(%dma_start3A_65 : memref<80xi32, #tpu.memory_space<vmem>>) semaphore(%run_scoped3A_62 : memref<!tpu.dma_semaphore, #tpu.memory_space<semaphore_mem>>) {add = true}
        %dma_wait3A_69 = arith.constant 0 : i32
        %dma_wait3A_70 = tpu.memref_slice %arg9[%mul3A_29, %dma_wait3A_69] : memref<125x80xi32, #tpu.memory_space<vmem>> -> memref<1x80xi32, #tpu.memory_space<vmem>>
        %dma_wait3A_71 = tpu.memref_squeeze %dma_wait3A_70 : memref<1x80xi32, #tpu.memory_space<vmem>> -> memref<80xi32, #tpu.memory_space<vmem>>
        %dma_wait3A_72 = arith.constant 0 : i32
        %dma_wait3A_73 = arith.constant 0 : i32
        %dma_wait3A_74 = tpu.memref_slice %arg7[%dma_wait3A_72, %dma_wait3A_73] : memref<10000x64xf32, #tpu.memory_space<vmem_shared>> -> memref<10000x64xf32, #tpu.memory_space<vmem_shared>>
        tpu.wait_indirect_dma semaphore(%run_scoped3A_62 : memref<!tpu.dma_semaphore, #tpu.memory_space<semaphore_mem>>) src(%arg10 : memref<80x64xf32, #tpu.memory_space<vmem>>) dst(%dma_wait3A_74 : memref<10000x64xf32, #tpu.memory_space<vmem_shared>>)
        tpu.yield
      }) : () -> ()
      %add3A_44 = arith.constant 2 : i32
      %add3A_45 = arith.addi %mul3A_29, %add3A_44 : i32
      %dma_start3A_46 = arith.constant 0 : i32
      %dma_start3A_47 = tpu.memref_slice %arg8[%add3A_45, %dma_start3A_46] : memref<125x80xi32, #tpu.memory_space<vmem>> -> memref<1x80xi32, #tpu.memory_space<vmem>>
      %dma_start3A_48 = tpu.memref_squeeze %dma_start3A_47 : memref<1x80xi32, #tpu.memory_space<vmem>> -> memref<80xi32, #tpu.memory_space<vmem>>
      %dma_start3A_49 = arith.constant 0 : i32
      %dma_start3A_50 = arith.constant 0 : i32
      %dma_start3A_51 = tpu.memref_slice %arg2[%dma_start3A_49, %dma_start3A_50] : memref<10000x64xf32, #tpu.memory_space<hbm>> -> memref<10000x64xf32, #tpu.memory_space<hbm>>
      tpu.enqueue_indirect_dma source(%dma_start3A_51 : memref<10000x64xf32, #tpu.memory_space<hbm>>) target(%arg10 : memref<80x64xf32, #tpu.memory_space<vmem>>) offsets(%dma_start3A_48 : memref<80xi32, #tpu.memory_space<vmem>>) semaphore(%arg12 : memref<!tpu.dma_semaphore, #tpu.memory_space<semaphore_mem>>)
      %add3A_52 = arith.constant 1 : i32
      %add3A_53 = arith.addi %mul3A_29, %add3A_52 : i32
      %dma_wait3A_54 = arith.constant 0 : i32
      %dma_wait3A_55 = tpu.memref_slice %arg8[%add3A_53, %dma_wait3A_54] : memref<125x80xi32, #tpu.memory_space<vmem>> -> memref<1x80xi32, #tpu.memory_space<vmem>>
      %dma_wait3A_56 = tpu.memref_squeeze %dma_wait3A_55 : memref<1x80xi32, #tpu.memory_space<vmem>> -> memref<80xi32, #tpu.memory_space<vmem>>
      %dma_wait3A_57 = arith.constant 0 : i32
      %dma_wait3A_58 = arith.constant 0 : i32
      %dma_wait3A_59 = tpu.memref_slice %arg2[%dma_wait3A_57, %dma_wait3A_58] : memref<10000x64xf32, #tpu.memory_space<hbm>> -> memref<10000x64xf32, #tpu.memory_space<hbm>>
      tpu.wait_indirect_dma semaphore(%arg13 : memref<!tpu.dma_semaphore, #tpu.memory_space<semaphore_mem>>) src(%dma_wait3A_59 : memref<10000x64xf32, #tpu.memory_space<hbm>>) dst(%arg11 : memref<80x64xf32, #tpu.memory_space<vmem>>)
      %add3A_60 = arith.constant 1 : i32
      %add3A_61 = arith.addi %mul3A_29, %add3A_60 : i32
      "tpu.region"() ({
        %run_scoped3A_62 = tpu.sem_alloc : memref<!tpu.dma_semaphore, #tpu.memory_space<semaphore_mem>>
        %dma_start3A_63 = arith.constant 0 : i32
        %dma_start3A_64 = tpu.memref_slice %arg9[%add3A_61, %dma_start3A_63] : memref<125x80xi32, #tpu.memory_space<vmem>> -> memref<1x80xi32, #tpu.memory_space<vmem>>
        %dma_start3A_65 = tpu.memref_squeeze %dma_start3A_64 : memref<1x80xi32, #tpu.memory_space<vmem>> -> memref<80xi32, #tpu.memory_space<vmem>>
        %dma_start3A_66 = arith.constant 0 : i32
        %dma_start3A_67 = arith.constant 0 : i32
        %dma_start3A_68 = tpu.memref_slice %arg7[%dma_start3A_66, %dma_start3A_67] : memref<10000x64xf32, #tpu.memory_space<vmem_shared>> -> memref<10000x64xf32, #tpu.memory_space<vmem_shared>>
        tpu.enqueue_indirect_dma source(%arg11 : memref<80x64xf32, #tpu.memory_space<vmem>>) target(%dma_start3A_68 : memref<10000x64xf32, #tpu.memory_space<vmem_shared>>) offsets(%dma_start3A_65 : memref<80xi32, #tpu.memory_space<vmem>>) semaphore(%run_scoped3A_62 : memref<!tpu.dma_semaphore, #tpu.memory_space<semaphore_mem>>) {add = true}
        %dma_wait3A_69 = arith.constant 0 : i32
        %dma_wait3A_70 = tpu.memref_slice %arg9[%add3A_61, %dma_wait3A_69] : memref<125x80xi32, #tpu.memory_space<vmem>> -> memref<1x80xi32, #tpu.memory_space<vmem>>
        %dma_wait3A_71 = tpu.memref_squeeze %dma_wait3A_70 : memref<1x80xi32, #tpu.memory_space<vmem>> -> memref<80xi32, #tpu.memory_space<vmem>>
        %dma_wait3A_72 = arith.constant 0 : i32
        %dma_wait3A_73 = arith.constant 0 : i32
        %dma_wait3A_74 = tpu.memref_slice %arg7[%dma_wait3A_72, %dma_wait3A_73] : memref<10000x64xf32, #tpu.memory_space<vmem_shared>> -> memref<10000x64xf32, #tpu.memory_space<vmem_shared>>
        tpu.wait_indirect_dma semaphore(%run_scoped3A_62 : memref<!tpu.dma_semaphore, #tpu.memory_space<semaphore_mem>>) src(%arg11 : memref<80x64xf32, #tpu.memory_space<vmem>>) dst(%dma_wait3A_74 : memref<10000x64xf32, #tpu.memory_space<vmem_shared>>)
        tpu.yield
      }) : () -> ()
    }
    %scan3A_15 = arith.constant 62 : i32
    %dma_wait3A = arith.constant 124 : i32
    %dma_wait3A_16 = arith.constant 0 : i32
    %dma_wait3A_17 = tpu.memref_slice %arg8[%dma_wait3A, %dma_wait3A_16] : memref<125x80xi32, #tpu.memory_space<vmem>> -> memref<1x80xi32, #tpu.memory_space<vmem>>
    %dma_wait3A_18 = tpu.memref_squeeze %dma_wait3A_17 : memref<1x80xi32, #tpu.memory_space<vmem>> -> memref<80xi32, #tpu.memory_space<vmem>>
    %dma_wait3A_19 = arith.constant 0 : i32
    %dma_wait3A_20 = arith.constant 0 : i32
    %dma_wait3A_21 = tpu.memref_slice %arg2[%dma_wait3A_19, %dma_wait3A_20] : memref<10000x64xf32, #tpu.memory_space<hbm>> -> memref<10000x64xf32, #tpu.memory_space<hbm>>
    tpu.wait_indirect_dma semaphore(%arg12 : memref<!tpu.dma_semaphore, #tpu.memory_space<semaphore_mem>>) src(%dma_wait3A_21 : memref<10000x64xf32, #tpu.memory_space<hbm>>) dst(%arg10 : memref<80x64xf32, #tpu.memory_space<vmem>>)
    %run_scoped3A = arith.constant 124 : i32
    "tpu.region"() ({
      %run_scoped3A_27 = tpu.sem_alloc : memref<!tpu.dma_semaphore, #tpu.memory_space<semaphore_mem>>
      %dma_start3A_28 = arith.constant 0 : i32
      %dma_start3A_29 = tpu.memref_slice %arg9[%run_scoped3A, %dma_start3A_28] : memref<125x80xi32, #tpu.memory_space<vmem>> -> memref<1x80xi32, #tpu.memory_space<vmem>>
      %dma_start3A_30 = tpu.memref_squeeze %dma_start3A_29 : memref<1x80xi32, #tpu.memory_space<vmem>> -> memref<80xi32, #tpu.memory_space<vmem>>
      %dma_start3A_31 = arith.constant 0 : i32
      %dma_start3A_32 = arith.constant 0 : i32
      %dma_start3A_33 = tpu.memref_slice %arg7[%dma_start3A_31, %dma_start3A_32] : memref<10000x64xf32, #tpu.memory_space<vmem_shared>> -> memref<10000x64xf32, #tpu.memory_space<vmem_shared>>
      tpu.enqueue_indirect_dma source(%arg10 : memref<80x64xf32, #tpu.memory_space<vmem>>) target(%dma_start3A_33 : memref<10000x64xf32, #tpu.memory_space<vmem_shared>>) offsets(%dma_start3A_30 : memref<80xi32, #tpu.memory_space<vmem>>) semaphore(%run_scoped3A_27 : memref<!tpu.dma_semaphore, #tpu.memory_space<semaphore_mem>>) {add = true}
      %dma_wait3A_34 = arith.constant 0 : i32
      %dma_wait3A_35 = tpu.memref_slice %arg9[%run_scoped3A, %dma_wait3A_34] : memref<125x80xi32, #tpu.memory_space<vmem>> -> memref<1x80xi32, #tpu.memory_space<vmem>>
      %dma_wait3A_36 = tpu.memref_squeeze %dma_wait3A_35 : memref<1x80xi32, #tpu.memory_space<vmem>> -> memref<80xi32, #tpu.memory_space<vmem>>
      %dma_wait3A_37 = arith.constant 0 : i32
      %dma_wait3A_38 = arith.constant 0 : i32
      %dma_wait3A_39 = tpu.memref_slice %arg7[%dma_wait3A_37, %dma_wait3A_38] : memref<10000x64xf32, #tpu.memory_space<vmem_shared>> -> memref<10000x64xf32, #tpu.memory_space<vmem_shared>>
      tpu.wait_indirect_dma semaphore(%run_scoped3A_27 : memref<!tpu.dma_semaphore, #tpu.memory_space<semaphore_mem>>) src(%arg10 : memref<80x64xf32, #tpu.memory_space<vmem>>) dst(%dma_wait3A_39 : memref<10000x64xf32, #tpu.memory_space<vmem_shared>>)
      tpu.yield
    }) : () -> ()
    %barrier3A_22 = arith.constant 0 : index
    tpu.barrier barrier_id(%barrier3A_22)
    %mul3A_23 = arith.constant 625 : i32
    %mul3A_24 = arith.muli %arg1, %mul3A_23 : i32
    %mul3A_25 = arith.constant 625 : i32
    %mul3A_26 = arith.muli %arg1, %mul3A_25 : i32
    "tpu.region"() ({
      %run_scoped3A_27 = tpu.sem_alloc : memref<!tpu.dma_semaphore, #tpu.memory_space<semaphore_mem>>
      %dma_start3A_28 = arith.constant 0 : i32
      %dma_start3A_29 = tpu.memref_slice %arg6[%arg0, %mul3A_26, %dma_start3A_28] : memref<2x10000x64xf32, #tpu.memory_space<hbm>> -> memref<1x625x64xf32, #tpu.memory_space<hbm>>
      %dma_start3A_30 = tpu.memref_squeeze %dma_start3A_29 : memref<1x625x64xf32, #tpu.memory_space<hbm>> -> memref<625x64xf32, #tpu.memory_space<hbm>>
      %dma_start3A_31 = arith.constant 0 : i32
      %dma_start3A_32 = tpu.memref_slice %arg7[%mul3A_24, %dma_start3A_31] : memref<10000x64xf32, #tpu.memory_space<vmem_shared>> -> memref<625x64xf32, #tpu.memory_space<vmem_shared>>
      tpu.enqueue_dma source(%dma_start3A_32 : memref<625x64xf32, #tpu.memory_space<vmem_shared>>) target(%dma_start3A_30 : memref<625x64xf32, #tpu.memory_space<hbm>>) target_semaphore(%run_scoped3A_27 : memref<!tpu.dma_semaphore, #tpu.memory_space<semaphore_mem>>)
      %dma_wait3A_33 = arith.constant 0 : i32
      %dma_wait3A_34 = tpu.memref_slice %arg6[%arg0, %mul3A_26, %dma_wait3A_33] : memref<2x10000x64xf32, #tpu.memory_space<hbm>> -> memref<1x625x64xf32, #tpu.memory_space<hbm>>
      %dma_wait3A_35 = tpu.memref_squeeze %dma_wait3A_34 : memref<1x625x64xf32, #tpu.memory_space<hbm>> -> memref<625x64xf32, #tpu.memory_space<hbm>>
      %dma_wait3A_36 = arith.constant 0 : i32
      %dma_wait3A_37 = tpu.memref_slice %arg7[%mul3A_24, %dma_wait3A_36] : memref<10000x64xf32, #tpu.memory_space<vmem_shared>> -> memref<625x64xf32, #tpu.memory_space<vmem_shared>>
      tpu.wait_dma2 semaphore(%run_scoped3A_27 : memref<!tpu.dma_semaphore, #tpu.memory_space<semaphore_mem>>) src(%dma_wait3A_37 : memref<625x64xf32, #tpu.memory_space<vmem_shared>>) dst(%dma_wait3A_35 : memref<625x64xf32, #tpu.memory_space<hbm>>)
      tpu.yield
    }) : () -> ()
    return
  }
}

module attributes {stable_mosaic.version = 14 : i64} {
  func.func @_tc_pre_body(%arg0: memref<10000x128xf32, #tpu.memory_space<vmem>>, %arg1: memref<128x64xf32, #tpu.memory_space<vmem>>, %arg2: memref<2x10000x8xf32, #tpu.memory_space<vmem>>, %arg3: memref<10000x64xf32, #tpu.memory_space<vmem>>) attributes {dimension_semantics = [], scalar_prefetch = 0 : i64, scratch_operands = 0 : i64, tpu.core_type = #tpu.core_type<tc>} {
    %get3A = arith.constant 0 : index
    %get3A_0 = arith.constant 0 : index
    %get3A_1 = arith.constant 0 : index
    %get3A_2 = vector.load %arg2[%get3A, %get3A_0, %get3A_1] : memref<2x10000x8xf32, #tpu.memory_space<vmem>>, vector<1x10000x1xf32>
    %get3A_3 = vector.shape_cast %get3A_2 : vector<1x10000x1xf32> to vector<10000x1xf32>
    %get3A_4 = arith.constant 1 : index
    %get3A_5 = arith.constant 0 : index
    %get3A_6 = arith.constant 0 : index
    %get3A_7 = vector.load %arg2[%get3A_4, %get3A_5, %get3A_6] : memref<2x10000x8xf32, #tpu.memory_space<vmem>>, vector<1x10000x1xf32>
    %get3A_8 = vector.shape_cast %get3A_7 : vector<1x10000x1xf32> to vector<10000x1xf32>
    %add3A = arith.addf %get3A_3, %get3A_8 : vector<10000x1xf32>
    %add3A_9 = arith.constant 1.000000e+00 : f32
    %add3A_10 = vector.broadcast %add3A_9 : f32 to vector<10000x1xf32>
    %add3A_11 = arith.addf %add3A, %add3A_10 : vector<10000x1xf32>
    %rsqrt3A = math.rsqrt %add3A_11 : vector<10000x1xf32>
    %get3A_12 = arith.constant 0 : index
    %get3A_13 = arith.constant 0 : index
    %get3A_14 = vector.load %arg0[%get3A_12, %get3A_13] : memref<10000x128xf32, #tpu.memory_space<vmem>>, vector<10000x128xf32>
    %get3A_15 = arith.constant 0 : index
    %get3A_16 = arith.constant 0 : index
    %get3A_17 = vector.load %arg1[%get3A_15, %get3A_16] : memref<128x64xf32, #tpu.memory_space<vmem>>, vector<128x64xf32>
    %dot_general3A = arith.constant dense<0.000000e+00> : vector<10000x64xf32>
    %dot_general3A_18 = tpu.matmul %get3A_14, %get3A_17, %dot_general3A {dimension_numbers = #tpu.dot_dimension_numbers<[1], [0], [0], [1], [0, 0, 1, 1], [], []>, transpose_lhs_hint = false} : vector<10000x128xf32>, vector<128x64xf32>, vector<10000x64xf32> -> vector<10000x64xf32>
    %mul3A = vector.broadcast %rsqrt3A : vector<10000x1xf32> to vector<10000x64xf32>
    %mul3A_19 = arith.mulf %dot_general3A_18, %mul3A : vector<10000x64xf32>
    %swap3A = arith.constant 0 : index
    %swap3A_20 = arith.constant 0 : index
    %swap3A_21 = vector.load %arg3[%swap3A, %swap3A_20] : memref<10000x64xf32, #tpu.memory_space<vmem>>, vector<10000x64xf32>
    tpu.vector_store %arg3[%swap3A, %swap3A_20], %mul3A_19 {strides = array<i32>} : memref<10000x64xf32, #tpu.memory_space<vmem>>, vector<10000x64xf32>,
    return
  }
}

module attributes {stable_mosaic.version = 14 : i64} {
  func.func @_tc_mid_body(%arg0: memref<2x10000x64xf32, #tpu.memory_space<vmem>>, %arg1: memref<10000x64xf32, #tpu.memory_space<vmem>>, %arg2: memref<2x10000x8xf32, #tpu.memory_space<vmem>>, %arg3: memref<1x64xf32, #tpu.memory_space<vmem>>, %arg4: memref<64x64xf32, #tpu.memory_space<vmem>>, %arg5: memref<10000x64xf32, #tpu.memory_space<vmem>>) attributes {dimension_semantics = [], scalar_prefetch = 0 : i64, scratch_operands = 0 : i64, tpu.core_type = #tpu.core_type<tc>} {
    %get3A = arith.constant 0 : index
    %get3A_0 = arith.constant 0 : index
    %get3A_1 = arith.constant 0 : index
    %get3A_2 = vector.load %arg2[%get3A, %get3A_0, %get3A_1] : memref<2x10000x8xf32, #tpu.memory_space<vmem>>, vector<1x10000x1xf32>
    %get3A_3 = vector.shape_cast %get3A_2 : vector<1x10000x1xf32> to vector<10000x1xf32>
    %get3A_4 = arith.constant 1 : index
    %get3A_5 = arith.constant 0 : index
    %get3A_6 = arith.constant 0 : index
    %get3A_7 = vector.load %arg2[%get3A_4, %get3A_5, %get3A_6] : memref<2x10000x8xf32, #tpu.memory_space<vmem>>, vector<1x10000x1xf32>
    %get3A_8 = vector.shape_cast %get3A_7 : vector<1x10000x1xf32> to vector<10000x1xf32>
    %add3A = arith.addf %get3A_3, %get3A_8 : vector<10000x1xf32>
    %add3A_9 = arith.constant 1.000000e+00 : f32
    %add3A_10 = vector.broadcast %add3A_9 : f32 to vector<10000x1xf32>
    %add3A_11 = arith.addf %add3A, %add3A_10 : vector<10000x1xf32>
    %rsqrt3A = math.rsqrt %add3A_11 : vector<10000x1xf32>
    %get3A_12 = arith.constant 0 : index
    %get3A_13 = arith.constant 0 : index
    %get3A_14 = arith.constant 0 : index
    %get3A_15 = vector.load %arg0[%get3A_12, %get3A_13, %get3A_14] : memref<2x10000x64xf32, #tpu.memory_space<vmem>>, vector<1x10000x64xf32>
    %get3A_16 = vector.shape_cast %get3A_15 : vector<1x10000x64xf32> to vector<10000x64xf32>
    %get3A_17 = arith.constant 1 : index
    %get3A_18 = arith.constant 0 : index
    %get3A_19 = arith.constant 0 : index
    %get3A_20 = vector.load %arg0[%get3A_17, %get3A_18, %get3A_19] : memref<2x10000x64xf32, #tpu.memory_space<vmem>>, vector<1x10000x64xf32>
    %get3A_21 = vector.shape_cast %get3A_20 : vector<1x10000x64xf32> to vector<10000x64xf32>
    %add3A_22 = arith.addf %get3A_16, %get3A_21 : vector<10000x64xf32>
    %get3A_23 = arith.constant 0 : index
    %get3A_24 = arith.constant 0 : index
    %get3A_25 = vector.load %arg1[%get3A_23, %get3A_24] : memref<10000x64xf32, #tpu.memory_space<vmem>>, vector<10000x64xf32>
    %add3A_26 = arith.addf %add3A_22, %get3A_25 : vector<10000x64xf32>
    %mul3A = vector.broadcast %rsqrt3A : vector<10000x1xf32> to vector<10000x64xf32>
    %mul3A_27 = arith.mulf %mul3A, %add3A_26 : vector<10000x64xf32>
    %get3A_28 = arith.constant 0 : index
    %get3A_29 = arith.constant 0 : index
    %get3A_30 = vector.load %arg3[%get3A_28, %get3A_29] : memref<1x64xf32, #tpu.memory_space<vmem>>, vector<1x64xf32>
    %add3A_31 = vector.broadcast %get3A_30 : vector<1x64xf32> to vector<10000x64xf32>
    %add3A_32 = arith.addf %mul3A_27, %add3A_31 : vector<10000x64xf32>
    %max3A = arith.constant 0.000000e+00 : f32
    %max3A_33 = vector.broadcast %max3A : f32 to vector<10000x64xf32>
    %max3A_34 = arith.maximumf %add3A_32, %max3A_33 : vector<10000x64xf32>
    %get3A_35 = arith.constant 0 : index
    %get3A_36 = arith.constant 0 : index
    %get3A_37 = vector.load %arg4[%get3A_35, %get3A_36] : memref<64x64xf32, #tpu.memory_space<vmem>>, vector<64x64xf32>
    %dot_general3A = arith.constant dense<0.000000e+00> : vector<10000x64xf32>
    %dot_general3A_38 = tpu.matmul %max3A_34, %get3A_37, %dot_general3A {dimension_numbers = #tpu.dot_dimension_numbers<[1], [0], [0], [1], [0, 0, 1, 1], [], []>, transpose_lhs_hint = false} : vector<10000x64xf32>, vector<64x64xf32>, vector<10000x64xf32> -> vector<10000x64xf32>
    %mul3A_39 = vector.broadcast %rsqrt3A : vector<10000x1xf32> to vector<10000x64xf32>
    %mul3A_40 = arith.mulf %dot_general3A_38, %mul3A_39 : vector<10000x64xf32>
    %swap3A = arith.constant 0 : index
    %swap3A_41 = arith.constant 0 : index
    %swap3A_42 = vector.load %arg5[%swap3A, %swap3A_41] : memref<10000x64xf32, #tpu.memory_space<vmem>>, vector<10000x64xf32>
    tpu.vector_store %arg5[%swap3A, %swap3A_41], %mul3A_40 {strides = array<i32>} : memref<10000x64xf32, #tpu.memory_space<vmem>>, vector<10000x64xf32>,
    return
  }
}

module attributes {stable_mosaic.version = 14 : i64} {
  func.func @_tc_post_body(%arg0: memref<2x10000x64xf32, #tpu.memory_space<vmem>>, %arg1: memref<10000x64xf32, #tpu.memory_space<vmem>>, %arg2: memref<2x10000x8xf32, #tpu.memory_space<vmem>>, %arg3: memref<1x64xf32, #tpu.memory_space<vmem>>, %arg4: memref<1x10000xi32, #tpu.memory_space<vmem>>, %arg5: memref<64x1xf32, #tpu.memory_space<vmem>>, %arg6: memref<1x1xf32, #tpu.memory_space<vmem>>, %arg7: memref<64x1xf32, #tpu.memory_space<vmem>>) attributes {dimension_semantics = [], scalar_prefetch = 0 : i64, scratch_operands = 0 : i64, tpu.core_type = #tpu.core_type<tc>} {
    %get3A = arith.constant 0 : index
    %get3A_0 = arith.constant 0 : index
    %get3A_1 = arith.constant 0 : index
    %get3A_2 = vector.load %arg2[%get3A, %get3A_0, %get3A_1] : memref<2x10000x8xf32, #tpu.memory_space<vmem>>, vector<1x10000x1xf32>
    %get3A_3 = vector.shape_cast %get3A_2 : vector<1x10000x1xf32> to vector<10000x1xf32>
    %get3A_4 = arith.constant 1 : index
    %get3A_5 = arith.constant 0 : index
    %get3A_6 = arith.constant 0 : index
    %get3A_7 = vector.load %arg2[%get3A_4, %get3A_5, %get3A_6] : memref<2x10000x8xf32, #tpu.memory_space<vmem>>, vector<1x10000x1xf32>
    %get3A_8 = vector.shape_cast %get3A_7 : vector<1x10000x1xf32> to vector<10000x1xf32>
    %add3A = arith.addf %get3A_3, %get3A_8 : vector<10000x1xf32>
    %add3A_9 = arith.constant 1.000000e+00 : f32
    %add3A_10 = vector.broadcast %add3A_9 : f32 to vector<10000x1xf32>
    %add3A_11 = arith.addf %add3A, %add3A_10 : vector<10000x1xf32>
    %rsqrt3A = math.rsqrt %add3A_11 : vector<10000x1xf32>
    %get3A_12 = arith.constant 0 : index
    %get3A_13 = arith.constant 0 : index
    %get3A_14 = arith.constant 0 : index
    %get3A_15 = vector.load %arg0[%get3A_12, %get3A_13, %get3A_14] : memref<2x10000x64xf32, #tpu.memory_space<vmem>>, vector<1x10000x64xf32>
    %get3A_16 = vector.shape_cast %get3A_15 : vector<1x10000x64xf32> to vector<10000x64xf32>
    %get3A_17 = arith.constant 1 : index
    %get3A_18 = arith.constant 0 : index
    %get3A_19 = arith.constant 0 : index
    %get3A_20 = vector.load %arg0[%get3A_17, %get3A_18, %get3A_19] : memref<2x10000x64xf32, #tpu.memory_space<vmem>>, vector<1x10000x64xf32>
    %get3A_21 = vector.shape_cast %get3A_20 : vector<1x10000x64xf32> to vector<10000x64xf32>
    %add3A_22 = arith.addf %get3A_16, %get3A_21 : vector<10000x64xf32>
    %get3A_23 = arith.constant 0 : index
    %get3A_24 = arith.constant 0 : index
    %get3A_25 = vector.load %arg1[%get3A_23, %get3A_24] : memref<10000x64xf32, #tpu.memory_space<vmem>>, vector<10000x64xf32>
    %add3A_26 = arith.addf %add3A_22, %get3A_25 : vector<10000x64xf32>
    %mul3A = vector.broadcast %rsqrt3A : vector<10000x1xf32> to vector<10000x64xf32>
    %mul3A_27 = arith.mulf %mul3A, %add3A_26 : vector<10000x64xf32>
    %get3A_28 = arith.constant 0 : index
    %get3A_29 = arith.constant 0 : index
    %get3A_30 = vector.load %arg3[%get3A_28, %get3A_29] : memref<1x64xf32, #tpu.memory_space<vmem>>, vector<1x64xf32>
    %add3A_31 = vector.broadcast %get3A_30 : vector<1x64xf32> to vector<10000x64xf32>
    %add3A_32 = arith.addf %mul3A_27, %add3A_31 : vector<10000x64xf32>
    %max3A = arith.constant 0.000000e+00 : f32
    %max3A_33 = vector.broadcast %max3A : f32 to vector<10000x64xf32>
    %max3A_34 = arith.maximumf %add3A_32, %max3A_33 : vector<10000x64xf32>
    %iota3A = tpu.iota {dimensions = array<i32: 0>} : vector<64x10000xi32>
    %get3A_35 = arith.constant 0 : index
    %get3A_36 = arith.constant 0 : index
    %get3A_37 = vector.load %arg4[%get3A_35, %get3A_36] : memref<1x10000xi32, #tpu.memory_space<vmem>>, vector<1x10000xi32>
    %eq3A = vector.broadcast %get3A_37 : vector<1x10000xi32> to vector<64x10000xi32>
    %eq3A_38 = arith.cmpi eq, %iota3A, %eq3A : vector<64x10000xi32>
    %convert_element_type3A = arith.extui %eq3A_38 : vector<64x10000xi1> to vector<64x10000xi32>
    %convert_element_type3A_39 = arith.sitofp %convert_element_type3A : vector<64x10000xi32> to vector<64x10000xf32>
    %dot_general3A = arith.constant dense<0.000000e+00> : vector<64x64xf32>
    %dot_general3A_40 = tpu.matmul %convert_element_type3A_39, %max3A_34, %dot_general3A {dimension_numbers = #tpu.dot_dimension_numbers<[1], [0], [0], [1], [0, 0, 1, 1], [], []>, transpose_lhs_hint = false} : vector<64x10000xf32>, vector<10000x64xf32>, vector<64x64xf32> -> vector<64x64xf32>
    %reduce_sum3A = arith.constant dense<0.000000e+00> : vector<64xf32>
    %reduce_sum3A_41 = vector.multi_reduction <add>, %convert_element_type3A_39, %reduce_sum3A [1] : vector<64x10000xf32> to vector<64xf32>
    %broadcast_in_dim3A = vector.shape_cast %reduce_sum3A_41 : vector<64xf32> to vector<64x1xf32>
    %max3A_42 = arith.constant 1.000000e+00 : f32
    %max3A_43 = vector.broadcast %max3A_42 : f32 to vector<64x1xf32>
    %max3A_44 = arith.maximumf %broadcast_in_dim3A, %max3A_43 : vector<64x1xf32>
    %div3A = vector.broadcast %max3A_44 : vector<64x1xf32> to vector<64x64xf32>
    %div3A_45 = arith.divf %dot_general3A_40, %div3A : vector<64x64xf32>
    %get3A_46 = arith.constant 0 : index
    %get3A_47 = arith.constant 0 : index
    %get3A_48 = vector.load %arg5[%get3A_46, %get3A_47] : memref<64x1xf32, #tpu.memory_space<vmem>>, vector<64x1xf32>
    %dot_general3A_49 = arith.constant dense<0.000000e+00> : vector<64x1xf32>
    %dot_general3A_50 = tpu.matmul %div3A_45, %get3A_48, %dot_general3A_49 {dimension_numbers = #tpu.dot_dimension_numbers<[1], [0], [0], [1], [0, 0, 1, 1], [], []>, transpose_lhs_hint = false} : vector<64x64xf32>, vector<64x1xf32>, vector<64x1xf32> -> vector<64x1xf32>
    %get3A_51 = arith.constant 0 : index
    %get3A_52 = arith.constant 0 : index
    %get3A_53 = vector.load %arg6[%get3A_51, %get3A_52] : memref<1x1xf32, #tpu.memory_space<vmem>>, vector<1x1xf32>
    %add3A_54 = vector.broadcast %get3A_53 : vector<1x1xf32> to vector<64x1xf32>
    %add3A_55 = arith.addf %dot_general3A_50, %add3A_54 : vector<64x1xf32>
    %logistic3A = arith.negf %add3A_55 : vector<64x1xf32>
    %logistic3A_56 = math.exp %logistic3A : vector<64x1xf32>
    %logistic3A_57 = arith.constant 1.000000e+00 : f32
    %logistic3A_58 = vector.broadcast %logistic3A_57 : f32 to vector<64x1xf32>
    %logistic3A_59 = arith.addf %logistic3A_58, %logistic3A_56 : vector<64x1xf32>
    %logistic3A_60 = arith.divf %logistic3A_58, %logistic3A_59 : vector<64x1xf32>
    %swap3A = arith.constant 0 : index
    %swap3A_61 = arith.constant 0 : index
    %swap3A_62 = vector.load %arg7[%swap3A, %swap3A_61] : memref<64x1xf32, #tpu.memory_space<vmem>>, vector<64x1xf32>
    tpu.vector_store %arg7[%swap3A, %swap3A_61], %logistic3A_60 {strides = array<i32>} : memref<64x1xf32, #tpu.memory_space<vmem>>, vector<64x1xf32>,
    return
  }
}

</mosaic_0001>

<sc_bundles>
// kernel: _impl.11.cloned.1.call-start
scs
__scs_entry_jumppad:
0x0: {  	(pc) =	sbr.rel $0x88, $3  }
0x1: {  	(tag) =	ssettag $0x0;
	lr =	simm.s32 $0x1  }
0x2: {  	[smem:$0x3F98] =	sst lr;
	_ =	strace $0xD0000000  }
0x3: {  	_ = 	snop  }
0x4: {  	_ = 	snop  }
0x5: {  	_ = 	snop  }
0x6: {  	_ = 	snop  }
0x7: {  	_ = 	snop  }
__scs_overlays_trampoline_lowered:
0x8: {  	[smem:$0x3FA7] =	sst s0  }
0x9: {  	[smem:$0x3FA8] =	sst s1  }
0xa: {  	[smem:$0x3FA9] =	sst s2  }
0xb: {  	[smem:$0x3FAA] =	sst s3  }
0xc: {  	[smem:$0x3FAB] =	sst s4  }
0xd: {  	[smem:$0x3FAC] =	sst s5  }
0xe: {  	[smem:$0x3FAD] =	sst s6  }
0xf: {  	[smem:$0x3FAE] =	sst s7  }
0x10: {  	[smem:$0x3FAF] =	sst s8  }
0x11: {  	[smem:$0x3FB0] =	sst s9;
	s0 =	simm.s32 @!p0 $0x0  }
0x12: {  	s1 =	sld [smem:$0x3F96];
	s0 =	simm.s32 @p0 $0x1  }
0x13: {  	[smem:$0x3FB1] =	sst s0;
	s0 =	simm.s32 @!p1 $0x0  }
0x14: {  	s2 =	sld [smem:$0x3F95];
	s0 =	simm.s32 @p1 $0x1  }
0x15: {  	[smem:$0x3FB2] =	sst s0;
	s0 =	simm.s32 @!p2 $0x0  }
0x16: {  	s3 =	sld [smem:$0x3FDB];
	s0 =	simm.s32 @p2 $0x1  }
0x17: {  	s4 =	simm.s32 $0x1BF5;
	[smem:$0x3FB4] =	sst s0  }
0x18: {  	s0 =	sld [smem:$0x3F97];
	_ =	swait.ge [sflag:s4], $0x0  }
0x19: {  	s7 =	sld [smem:$0x3F98]  }
0x1a: {  	s8 =	sadd.s32 $0xFFFFE003, lr  }
0x1b: {  	s9 =	sadd.s32 $0xFFFFFEF7, lr;
	s5 =	simm.s32 $0xFFFFFFFF;
	p2 =	slt.u32 s8, $0xFFFFF086  }
0x1c: {  	p1 =	slt.u32 s9, $0xF7A;
	s5 =	simm.s32 @!p2 $0x0  }
0x1d: {  	s5 =	simm.s32 @p1 $0x1;
	p0 =	seq.s32 s7, s2  }
0x1e: {  	s7 =	smul.u32 @!p0 $0xF7A, s2;
	p2 =	seq.s32 @!p0 s5, $0x0  }
0x1f: {  	s9 =	smul.u32 $0xF7A, s1;
	s8 =	simm.s32 @!p0 $0x1BF5;
	p2 =	por !p2, p0  }
0x20: {  	[sflag:s8] =	ssyncset.s32 @!p0 $0xFFFFF086;
	s6 =	sadd.s32 @!p0 s3, s7;
	s7 =	simm.s32 @!p0 $0x108  }
0x21: {  	s3 =	sadd.s32 s3, s9;
	s6 =	sadd.s32 @!p0 $0x88, s6;
	s7 =	simm.s32 @p2 $0x1082  }
0x22: {  	[simem:s7], [sflag:s8] =	dma.local @!p0 [hbm:s6], $0xF7A  }
0x23: {  	s9 =	sor.u32 $0xD0000000, s2;
	s6 =	simm.s32 $0x108;
	_ =	swait.ge @!p0 [sflag:s8], $0x0  }
0x24: {  	s3 =	sadd.s32 $0x88, s3;
	s6 =	simm.s32 @!p1 $0x1082;
	[sflag:s4] =	ssyncset.s32 $0xFFFFF086  }
0x25: {  	[simem:s6], [sflag:s4] =	dma.local [hbm:s3], $0xF7A  }
0x26: {  	[smem:$0x3F98] =	sst s1;
	(tag) =	ssettag s2;
	_ =	strace s9  }
0x27: {  	s1 =	sld [smem:$0x3FA8]  }
0x28: {  	s2 =	sld [smem:$0x3FA9]  }
0x29: {  	s4 =	sld [smem:$0x3FAB]  }
0x2a: {  	p0 =	seq.s32 s5, $0x0;
	s5 =	sld [smem:$0x3FAC]  }
0x2b: {  	s6 =	sld [smem:$0x3FAD]  }
0x2c: {  	s7 =	sld [smem:$0x3FAE]  }
0x2d: {  	s3 =	simm.s32 $0x108;
	s8 =	sld [smem:$0x3FAF]  }
0x2e: {  	s3 =	simm.s32 @!p0 $0x1082;
	s9 =	sld [smem:$0x3FB0]  }
0x2f: {  	lr =	sadd.s32 s0, s3;
	s0 =	sld [smem:$0x3FA7]  }
0x30: {  	s3 =	sld [smem:$0x3FAA]  }
0x31: {  	[smem:$0x3FB3] =	sst s10  }
0x32: {  	s10 =	sld [smem:$0x3FB1];
	_ =	sdelay $0x3  }
0x33: {  	p0 =	seq.s32 s10, $0x1;
	s10 =	sld [smem:$0x3FB3];
	_ =	sdelay $0x3  }
0x34: {  	[smem:$0x3FB3] =	sst s10  }
0x35: {  	s10 =	sld [smem:$0x3FB2];
	_ =	sdelay $0x3  }
0x36: {  	p1 =	seq.s32 s10, $0x1;
	s10 =	sld [smem:$0x3FB3];
	_ =	sdelay $0x3  }
0x37: {  	[smem:$0x3FB3] =	sst s10  }
0x38: {  	s10 =	sld [smem:$0x3FB4]  }
0x39: {  	_ = 	snop;
	(pc) =	sbr.ind lr, $3  }
0x3a: {  	_ = 	snop  }
0x3b: {  	_ = 	snop  }
0x3c: {  	p2 =	seq.s32 s10, $0x1;
	s10 =	sld [smem:$0x3FB3]  }
0x3d: {  	_ =	shalt  }
0x3e: {  	_ =	shalt  }
0x3f: {  	_ =	shalt  }
0x40: {  	_ =	shalt  }
0x41: {  	_ =	shalt  }
0x42: {  	_ =	shalt  }
0x43: {  	_ =	shalt  }
0x44: {  	_ =	shalt  }
0x45: {  	_ =	shalt  }
0x46: {  	_ =	shalt  }
0x47: {  	_ =	shalt  }
0x48: {  	_ =	shalt  }
0x49: {  	_ =	shalt  }
0x4a: {  	_ =	shalt  }
0x4b: {  	_ =	shalt  }
0x4c: {  	_ =	shalt  }
0x4d: {  	_ =	shalt  }
0x4e: {  	_ =	shalt  }
0x4f: {  	_ =	shalt  }
0x50: {  	_ =	shalt  }
0x51: {  	_ =	shalt  }
0x52: {  	_ =	shalt  }
0x53: {  	_ =	shalt  }
0x54: {  	_ =	shalt  }
0x55: {  	_ =	shalt  }
0x56: {  	_ =	shalt  }
0x57: {  	_ =	shalt  }
0x58: {  	_ =	shalt  }
0x59: {  	_ =	shalt  }
0x5a: {  	_ =	shalt  }
0x5b: {  	_ =	shalt  }
0x5c: {  	_ =	shalt  }
0x5d: {  	_ =	shalt  }
0x5e: {  	_ =	shalt  }
0x5f: {  	_ =	shalt  }
0x60: {  	_ =	shalt  }
0x61: {  	_ =	shalt  }
0x62: {  	_ =	shalt  }
0x63: {  	_ =	shalt  }
0x64: {  	_ =	shalt  }
0x65: {  	_ =	shalt  }
0x66: {  	_ =	shalt  }
0x67: {  	_ =	shalt  }
0x68: {  	_ =	shalt  }
0x69: {  	_ =	shalt  }
0x6a: {  	_ =	shalt  }
0x6b: {  	_ =	shalt  }
0x6c: {  	_ =	shalt  }
0x6d: {  	_ =	shalt  }
0x6e: {  	_ =	shalt  }
0x6f: {  	_ =	shalt  }
0x70: {  	_ =	shalt  }
0x71: {  	_ =	shalt  }
0x72: {  	_ =	shalt  }
0x73: {  	_ =	shalt  }
0x74: {  	_ =	shalt  }
0x75: {  	_ =	shalt  }
0x76: {  	_ =	shalt  }
0x77: {  	_ =	shalt  }
0x78: {  	_ =	shalt  }
0x79: {  	_ =	shalt  }
0x7a: {  	_ =	shalt  }
0x7b: {  	_ =	shalt  }
0x7c: {  	_ =	shalt  }
0x7d: {  	_ =	shalt  }
0x7e: {  	_ =	shalt  }
0x7f: {  	_ =	shalt  }
0x80: {  	_ =	shalt  }
0x81: {  	_ =	shalt  }
0x82: {  	_ =	shalt  }
0x83: {  	_ =	shalt  }
0x84: {  	_ =	shalt  }
0x85: {  	_ =	shalt  }
0x86: {  	_ =	shalt  }
0x87: {  	_ =	shalt  }
.Lfunc_end0:
.L_simem_size_0:
called_computation.1_lowered:
.L_overlay_start_0:
0x88: {  	s2 =	sld [smem:$0x3FD9]  }
0x89: {  	s3 =	sld [smem:$0x3FFE];
	_ =	sdelay $0x1  }
0x8a: {  	s1 =	srdreg.scid  }
0x8b: {  	s0 =	sand.u32 $0x1, s1  }
0x8c: {  	s16 =	sshll.u32 s0, $0xA;
	s2 =	sadd.s32 s3, s2  }
0x8d: {  	s2 =	sadd.s32 s2, s16  }
0x8e: {  	[smem:$0x3FBF] =	sst s2  }
0x8f: {  	_ = 	snop  }
0x90: {  	(tm) =	ssettm $0x1  }
0x91: {  	s17 =	sld [smem:$0x3FFB];
	_ =	sdelay $0x3  }
0x92: {  	_ =	strace s17  }
0x93: {  	s2 =	sld [smem:$0x3FFC];
	_ =	sdelay $0x3  }
0x94: {  	_ =	strace s2  }
0x95: {  	s2 =	sld [smem:$0x3FFD];
	_ =	sdelay $0x3  }
0x96: {  	_ =	strace s2  }
0x97: {  	_ =	strace $0x8FFFFFFF  }
0x98: {  	s18 =	sld [smem:$0x3FDB];
	_ =	sdelay $0x1  }
0x99: {  	s19 =	simm.s32 $_scs_section_size  }
0x9a: {  	s4 =	simm.s32 $_size__tile_overlayer_lowered;
	s5 =	simm.s32 $_tile_overlayer_lowered  }
0x9b: {  	s22 =	simm.s32 $0x1BFF;
	s21 =	sshll.u32 s5, $0x1;
	s2 =	sadd.s32 s19, s18  }
0x9c: {  	s6 =	simm.s32 $0x0;
	s20 =	sshll.u32 s4, $0x1;
	s4 =	sadd.s32 s21, s2  }
0x9d: {  	[timem:s6], [sflag:s22] =	dma.local [hbm:s4], s20  }
0x9e: {  	_ =	swait.ge [sflag:s22], s20  }
0x9f: {  	s3 =	ssub.s32 $0x0, s20;
	[sflag:s22] =	ssyncset.done $0x0  }
0xa0: {  	[sflag:s22] =	ssyncadd.s32 s3;
	_ =	sdelay $0x1  }
0xa1: {  	s23 =	simm.s32 $0x1B8B  }
0xa2: {  	_ =	swait.ge [sflag:s23], $0x1  }
0xa3: {  	[sflag:s23] =	ssyncset.done $0x0  }
0xa4: {  	s25 =	simm.s32 $0x1B8E;
	s24 =	sld [smem:$0x3FFE];
	[sflag:s23] =	ssyncadd.s32 $0xFFFFFFFF  }
0xa5: {  	s26 =	simm.s32 $execute0_lowered;
	[smem:$0x3FD2] =	sst s25  }
0xa6: {  	s4 =	sshll.u32 s26, $0x1;
	_ =	strace $0x80000049;
	[dreg:$0x1] =	wrdreg $0xFFFFFFFF  }
0xa7: {  	s28 =	simm.s32 $_size_execute0_lowered;
	s2 =	sadd.s32 s2, s4;
	[dreg:$0x0] =	wrdreg $0x0  }
0xa8: {  	s4 =	sshll.u32 s28, $0x1;
	[dreg:$0x2] =	wrdreg s2  }
0xa9: {  	[dreg:$0x3] =	wrdreg s4  }
0xaa: {  	[dreg:$0x4] =	wrdreg $0xC0  }
0xab: {  	_ =	task [dreg:s6], $0x5FFFF  }
0xac: {  	[dreg:$0x1] =	wrdreg $0xFFFFFFFF  }
0xad: {  	[dreg:$0x0] =	wrdreg $0x60  }
0xae: {  	[dreg:$0x2] =	wrdreg s24  }
0xaf: {  	[dreg:$0x3] =	wrdreg $0x0  }
0xb0: {  	[dreg:$0x4] =	wrdreg $0x9  }
0xb1: {  	_ =	task.clear_ibuf [dreg:s6], $0x5FFFF;
	_ =	strace $0x90000049  }
0xb2: {  	s29 =	simm.s32 $0x9;
	_ =	strace $0x8000004B  }
0xb3: {  	_ =	swait.ge [sflag:s29], $0x1  }
0xb4: {  	[sflag:s29] =	ssyncadd.s32 $0xFFFFFFFF  }
0xb5: {  	_ =	strace $0x9000004B  }
0xb6: {  	_ =	sfence  }
0xb7: {  	s30 =	sld [smem:$0x0];
	_ =	sdelay $0x2  }
0xb8: {  	s31 =	sshll.u32 s1, $0xD;
	s1 =	sshrl.u32 s1, $0x2  }
0xb9: {  	s3 =	sand.u32 $0x4000, s31;
	s1 =	sadd.s32 s1, s30  }
0xba: {  	s0 =	sor.u32 s3, s0;
	s1 =	sshll.u32 s1, $0x11  }
0xbb: {  	s0 =	sor.u32 s1, s0  }
0xbc: {  	s0 =	sadd.s32 $0x8F2B, s0  }
0xbd: {  	[sflag:s0] =	ssyncadd.remote.s32 $0x1  }
0xbe: {  	_ =	sfence.sel $0xFFFF  }
0xbf: {  	[dreg:$0x0] =	wrdreg $0xFFFFFFFF;
	(pc) =	sbr.abs _section_cstart, $3  }
0xc0: {  	[dreg:$0x1] =	wrdreg $0xFFFFFFFF  }
0xc1: {  	_ =	task.clear_ibuf [dreg:s6], $0x2FFFF;
	_ =	strace $0x9FFFFFFF  }
0xc2: {  	(tm) =	ssettm $0x7FFFFFFF  }
0xc3: {  	_ =	shalt  }
tec
execute0_lowered:
.L_overlay_start_1:
0x0: {  	(tag) =	ssettag $0x1  }
0x1: {  	s1 =	srdreg.scid;
	s6 =	rddreg [dreg:$0x0]  }
0x2: {  	s0 =	stileid.u32;
	s2 =	rddreg [dreg:$0x1]  }
0x3: {  	s3 =	simm.s32 $0x0;
	s13 =	simm.s32 $0x9C40;
	s14 =	simm.s32 $0xC350  }
0x4: {  	s15 =	simm.s32 $0x50;
	s16 =	simm.s32 $0xEA60;
	s17 =	simm.s32 $0xFE60  }
0x5: {  	s18 =	simm.s32 $0x1;
	s19 =	simm.s32 $0x2;
	s20 =	simm.s32 $0xEA10  }
0x6: {  	s21 =	simm.s32 $0x0;
	s5 =	sand.u32 $0x1, s1;
	s29 =	sshll.u32 s0, $0x1  }
0x7: {  	s8 =	smul.u32 $0x9C40, s0;
	[smem:$0x7FF] =	sst s3;
	s4 =	sadd.s32 $0x8AE00, s6  }
0x8: {  	s31 =	sshll.u32 s0, $0x6;
	s1 =	sor.u32 s5, s29;
	s9 =	smul.u32 $0x9C400, s5  }
0x9: {  	s5 =	ssub.s32 $0x2, s5;
	s7 =	smul.u32 $0x4E2, s1;
	s1 =	rddreg [dreg:$0x2]  }
0xa: {  	_ =	strace $0x8000004A;
	s30 =	sshrl.u32 s8, $0x3;
	s11 =	sshrl.u32 s5, $0x1  }
0xb: {  	s12 =	sadd.s32 s8, s2;
	s9 =	sadd.s32 s8, s9;
	s11 =	ssub.s32 s5, s11  }
0xc: {  	s10 =	sadd.s32 s7, s6;
	s7 =	sadd.s32 s30, s6;
	s9 =	sshrl.u32 s9, $0x3  }
0xd: {  	s9 =	sadd.s32 s9, s6;
	s5 =	sadd.s32 $0x9E800, s7;
	s6 =	sor.u32 $0x1C03, s31  }
0xe: {  	s7 =	sadd.s32 $0x1E00, s10;
	s8 =	sadd.s32 $0xBC00, s10;
	s10 =	smax.u32 s11, $0x1  }
0xf: {  	s11 =	sshrl.u32 s12, $0x3;
	s12 =	simm.s32 $0x3;
	s9 =	sadd.s32 $0xB2200, s9  }
.LBB2_1:
0x10: {  	[spmem:s11], [sflag:s6] =	dma.local [hbm:s5], $0x1388  }
0x11: {  	_ =	swait.ge [sflag:s12], $0x1388  }
0x12: {  	[sflag:s12] =	ssyncset.done $0x0  }
0x13: {  	[sflag:s12] =	ssyncadd.s32 $0xFFFFEC78  }
0x14: {  	[tilespmem:s13], [sflag:$0x3] =	stream.linear.gather [hbm4b:s7+s3], $0x2710, $0x38;
	[tilespmem:$0x11260] =	vst v63  }
0x15: {  	_ =	swait.ge [sflag:s12], $0x2710  }
0x16: {  	[sflag:s12] =	ssyncset.done $0x0  }
0x17: {  	[sflag:s12] =	ssyncadd.s32 $0xFFFFD8F0  }
0x18: {  	[tilespmem:s14], [sflag:$0x3] =	stream.linear.gather [hbm4b:s8+s3], $0x2710, $0x38;
	[tilespmem:$0x11260] =	vst v63  }
0x19: {  	_ =	swait.ge [sflag:s12], $0x2710  }
0x1a: {  	[sflag:s12] =	ssyncset.done $0x0  }
0x1b: {  	[sflag:s12] =	ssyncadd.s32 $0xFFFFD8F0  }
0x1c: {  	[bflag:$0x0] =	sbarrier.arrive $0xFFFF  }
0x1d: {  	[tilespmem:s16], [sflag:$0x1] =	stream.indirect.gather [hbm4b:s4+s15], $0x40, s13, s15, $0xb8;
	[tilespmem:$0x11260] =	vst v63  }
0x1e: {  	s22 =	simm.s32 $0x9C90  }
0x1f: {  	[tilespmem:s17], [sflag:$0x2] =	stream.indirect.gather [hbm4b:s4+s15], $0x40, s22, s15, $0xb8;
	[tilespmem:$0x11260] =	vst v63  }
0x20: {  	_ =	swait.ge [sflag:s18], $0x1400  }
0x21: {  	[sflag:s18] =	ssyncset.done $0x0  }
0x22: {  	s29 =	simm.s32 $0xC350;
	[sflag:s18] =	ssyncadd.s32 $0xFFFFEC00  }
0x23: {  	[spmem:s2] =	stream.indirect.scatter.add.f32 [tilespmem:s16], [sflag:$0x3], $0x40, s29, s15, $0xb8;
	[tilespmem:$0x11260] =	vst v63  }
0x24: {  	_ =	swait.ge [sflag:s12], $0x1400  }
0x25: {  	[sflag:s12] =	ssyncset.done $0x0  }
0x26: {  	s30 =	simm.s32 $0x9CE0;
	[sflag:s12] =	ssyncadd.s32 $0xFFFFEC00  }
0x27: {  	[tilespmem:s16], [sflag:$0x1] =	stream.indirect.gather [hbm4b:s4+s15], $0x40, s30, s15, $0xb8;
	[tilespmem:$0x11260] =	vst v63  }
0x28: {  	_ =	swait.ge [sflag:s19], $0x1400  }
0x29: {  	[sflag:s19] =	ssyncset.done $0x0  }
0x2a: {  	s31 =	simm.s32 $0xC3A0;
	[sflag:s19] =	ssyncadd.s32 $0xFFFFEC00  }
0x2b: {  	[spmem:s2] =	stream.indirect.scatter.add.f32 [tilespmem:s17], [sflag:$0x3], $0x40, s31, s15, $0xb8;
	[tilespmem:$0x11260] =	vst v63  }
0x2c: {  	_ =	swait.ge [sflag:s12], $0x1400  }
0x2d: {  	s23 =	simm.s32 $0x500;
	s22 =	simm.s32 $0xA0;
	[sflag:s12] =	ssyncset.done $0x0  }
.LBB2_2:
0x2e: {  	s24 =	sadd.s32 $0x9C90, s22  }
0x2f: {  	[sflag:s12] =	ssyncadd.s32 $0xFFFFEC00;
	s25 =	smov.u32 s23;
	s26 =	sadd.s32 $0x280, s23  }
0x30: {  	[tilespmem:s17], [sflag:$0x2] =	stream.indirect.gather [hbm4b:s4+s15], $0x40, s24, s15, $0xb8;
	[tilespmem:$0x11260] =	vst v63  }
0x31: {  	p0 =	sne.s32 s23, $0x9880;
	_ =	swait.ge [sflag:s18], $0x1400  }
0x32: {  	[sflag:s18] =	ssyncset.done $0x0  }
0x33: {  	s23 =	sadd.s32 $0xC350, s22;
	[sflag:s18] =	ssyncadd.s32 $0xFFFFEC00  }
0x34: {  	[spmem:s2] =	stream.indirect.scatter.add.f32 [tilespmem:s16], [sflag:$0x3], $0x40, s23, s15, $0xb8;
	[tilespmem:$0x11260] =	vst v63  }
0x35: {  	_ =	swait.ge [sflag:s12], $0x1400  }
0x36: {  	[sflag:s12] =	ssyncset.done $0x0  }
0x37: {  	s23 =	sadd.s32 $0x9CE0, s22;
	[sflag:s12] =	ssyncadd.s32 $0xFFFFEC00  }
0x38: {  	[tilespmem:s16], [sflag:$0x1] =	stream.indirect.gather [hbm4b:s4+s15], $0x40, s23, s15, $0xb8;
	[tilespmem:$0x11260] =	vst v63  }
0x39: {  	_ =	swait.ge [sflag:s19], $0x1400  }
.Ltmp0:
0x3a: {  	[sflag:s19] =	ssyncset.done $0x0;
	(pc) =	sbr.rel @p0 .LBB2_2-.Ltmp0, $4  }
0x3b: {  	s22 =	sadd.s32 $0xC3A0, s22;
	[sflag:s19] =	ssyncadd.s32 $0xFFFFEC00  }
0x3c: {  	[spmem:s2] =	stream.indirect.scatter.add.f32 [tilespmem:s17], [sflag:$0x3], $0x40, s22, s15, $0xb8;
	[tilespmem:$0x11260] =	vst v63  }
0x3d: {  	_ =	swait.ge [sflag:s12], $0x1400  }
0x3e: {  	s23 =	smov.u32 s26;
	s22 =	sshra.s32 s25, $0x2;
	[sflag:s12] =	ssyncset.done $0x0  }
0x3f: {  	s23 =	sadd.s32 $0x9C90, s22;
	[sflag:s12] =	ssyncadd.s32 $0xFFFFEC00  }
0x40: {  	[tilespmem:s17], [sflag:$0x2] =	stream.indirect.gather [hbm4b:s4+s15], $0x40, s23, s15, $0xb8;
	[tilespmem:$0x11260] =	vst v63  }
0x41: {  	_ =	swait.ge [sflag:s18], $0x1400  }
0x42: {  	[sflag:s18] =	ssyncset.done $0x0  }
0x43: {  	s29 =	sadd.s32 $0xC350, s22;
	[sflag:s18] =	ssyncadd.s32 $0xFFFFEC00  }
0x44: {  	[spmem:s2] =	stream.indirect.scatter.add.f32 [tilespmem:s16], [sflag:$0x3], $0x40, s29, s15, $0xb8;
	[tilespmem:$0x11260] =	vst v63  }
0x45: {  	_ =	swait.ge [sflag:s12], $0x1400  }
0x46: {  	[sflag:s12] =	ssyncset.done $0x0  }
0x47: {  	s30 =	sadd.s32 $0x9CE0, s22;
	[sflag:s12] =	ssyncadd.s32 $0xFFFFEC00  }
0x48: {  	[tilespmem:s16], [sflag:$0x1] =	stream.indirect.gather [hbm4b:s4+s15], $0x40, s30, s15, $0xb8;
	[tilespmem:$0x11260] =	vst v63  }
0x49: {  	_ =	swait.ge [sflag:s19], $0x1400  }
0x4a: {  	[sflag:s19] =	ssyncset.done $0x0  }
0x4b: {  	s31 =	sadd.s32 $0xC3A0, s22;
	[sflag:s19] =	ssyncadd.s32 $0xFFFFEC00  }
0x4c: {  	[spmem:s2] =	stream.indirect.scatter.add.f32 [tilespmem:s17], [sflag:$0x3], $0x40, s31, s15, $0xb8;
	[tilespmem:$0x11260] =	vst v63  }
0x4d: {  	_ =	swait.ge [sflag:s12], $0x1400  }
0x4e: {  	[sflag:s12] =	ssyncset.done $0x0  }
0x4f: {  	[sflag:s12] =	ssyncadd.s32 $0xFFFFEC00  }
0x50: {  	_ =	swait.ge [sflag:s18], $0x1400  }
0x51: {  	[sflag:s18] =	ssyncset.done $0x0  }
0x52: {  	[sflag:s18] =	ssyncadd.s32 $0xFFFFEC00  }
0x53: {  	[spmem:s2] =	stream.indirect.scatter.add.f32 [tilespmem:s16], [sflag:$0x3], $0x40, s20, s15, $0xb8;
	[tilespmem:$0x11260] =	vst v63  }
0x54: {  	_ =	swait.ge [sflag:s12], $0x1400  }
0x55: {  	s21 =	sadd.s32 $0x1, s21;
	[sflag:s12] =	ssyncset.done $0x0  }
0x56: {  	p0 =	sne.s32 s21, s10;
	[sflag:s12] =	ssyncadd.s32 $0xFFFFEC00  }
.Ltmp1:
0x57: {  	[bflag:$0x0] =	sbarrier.arrive $0xFFFF;
	(pc) =	sbr.rel @p0 .LBB2_1-.Ltmp1, $4  }
0x58: {  	[hbm:s9], [sflag:s6] =	dma.local [spmem:s11], $0x1388  }
0x59: {  	_ =	swait.ge [sflag:s12], $0x1388  }
0x5a: {  	[sflag:s12] =	ssyncset.done $0x0  }
0x5b: {  	[sflag:s12] =	ssyncadd.s32 $0xFFFFEC78  }
0x5c: {  	_ =	sfence.sel $0x180000  }
0x5d: {  	[bflag:$0x0] =	sbarrier.arrive $0xFFFF  }
0x5e: {  	p0 =	sne.s32 s0, $0x0;
	_ =	strace $0x9000004A  }
0x5f: {  	s0 =	sadd.s32 @!p0 $0x100000, s1;
	[bflag:$0x2] =	sbarrier.arrive $0xFFFF  }
0x60: {  	[sflag:s0] =	ssyncadd.tile.s32 @!p0 $0x1;
	_ =	shalt  }
.Lfunc_end2:
_tile_overlayer_lowered:
.L_overlay_start_2:
0x61: {  	(tag) =	ssettag $0x2  }
0x62: {  	s0 =	rddreg [dreg:$0x0];
	s2 =	stileid.u32  }
0x63: {  	s1 =	rddreg [dreg:$0x1];
	p0 =	sne.s32 s2, $0x0  }
0x64: {  	s3 =	rddreg [dreg:$0x2];
	[bflag:$0x3] =	sbarrier.arrive $0xFFFF;
	s2 =	simm.s32 @!p0 $0x1C03  }
0x65: {  	[timem:s3], [sflag:s2] =	dma.local @!p0 [hbm:s0], s1  }
0x66: {  	s0 =	simm.s32 @!p0 $0x3  }
0x67: {  	_ =	swait.ge @!p0 [sflag:s0], s1  }
0x68: {  	s1 =	ssub.s32 @!p0 $0x0, s1;
	[sflag:s0] =	ssyncset.done @!p0 $0x0  }
0x69: {  	[sflag:s0] =	ssyncadd.s32 @!p0 s1  }
0x6a: {  	[bflag:$0x3] =	sbarrier.arrive $0xFFFF  }
0x6b: {  	_ =	shalt  }

// kernel: _impl.14.cloned.1.call-start
scs
__scs_entry_jumppad:
0x0: {  	(pc) =	sbr.rel $0x88, $3  }
0x1: {  	(tag) =	ssettag $0x0;
	lr =	simm.s32 $0x1  }
0x2: {  	[smem:$0x3F98] =	sst lr;
	_ =	strace $0xD0000000  }
0x3: {  	_ = 	snop  }
0x4: {  	_ = 	snop  }
0x5: {  	_ = 	snop  }
0x6: {  	_ = 	snop  }
0x7: {  	_ = 	snop  }
__scs_overlays_trampoline_lowered:
0x8: {  	[smem:$0x3FA7] =	sst s0  }
0x9: {  	[smem:$0x3FA8] =	sst s1  }
0xa: {  	[smem:$0x3FA9] =	sst s2  }
0xb: {  	[smem:$0x3FAA] =	sst s3  }
0xc: {  	[smem:$0x3FAB] =	sst s4  }
0xd: {  	[smem:$0x3FAC] =	sst s5  }
0xe: {  	[smem:$0x3FAD] =	sst s6  }
0xf: {  	[smem:$0x3FAE] =	sst s7  }
0x10: {  	[smem:$0x3FAF] =	sst s8  }
0x11: {  	[smem:$0x3FB0] =	sst s9;
	s0 =	simm.s32 @!p0 $0x0  }
0x12: {  	s1 =	sld [smem:$0x3F96];
	s0 =	simm.s32 @p0 $0x1  }
0x13: {  	[smem:$0x3FB1] =	sst s0;
	s0 =	simm.s32 @!p1 $0x0  }
0x14: {  	s2 =	sld [smem:$0x3F95];
	s0 =	simm.s32 @p1 $0x1  }
0x15: {  	[smem:$0x3FB2] =	sst s0;
	s0 =	simm.s32 @!p2 $0x0  }
0x16: {  	s3 =	sld [smem:$0x3FDB];
	s0 =	simm.s32 @p2 $0x1  }
0x17: {  	s4 =	simm.s32 $0x1BF5;
	[smem:$0x3FB4] =	sst s0  }
0x18: {  	s0 =	sld [smem:$0x3F97];
	_ =	swait.ge [sflag:s4], $0x0  }
0x19: {  	s7 =	sld [smem:$0x3F98]  }
0x1a: {  	s8 =	sadd.s32 $0xFFFFE003, lr  }
0x1b: {  	s9 =	sadd.s32 $0xFFFFFEF7, lr;
	s5 =	simm.s32 $0xFFFFFFFF;
	p2 =	slt.u32 s8, $0xFFFFF086  }
0x1c: {  	p1 =	slt.u32 s9, $0xF7A;
	s5 =	simm.s32 @!p2 $0x0  }
0x1d: {  	s5 =	simm.s32 @p1 $0x1;
	p0 =	seq.s32 s7, s2  }
0x1e: {  	s7 =	smul.u32 @!p0 $0xF7A, s2;
	p2 =	seq.s32 @!p0 s5, $0x0  }
0x1f: {  	s9 =	smul.u32 $0xF7A, s1;
	s8 =	simm.s32 @!p0 $0x1BF5;
	p2 =	por !p2, p0  }
0x20: {  	[sflag:s8] =	ssyncset.s32 @!p0 $0xFFFFF086;
	s6 =	sadd.s32 @!p0 s3, s7;
	s7 =	simm.s32 @!p0 $0x108  }
0x21: {  	s3 =	sadd.s32 s3, s9;
	s6 =	sadd.s32 @!p0 $0x88, s6;
	s7 =	simm.s32 @p2 $0x1082  }
0x22: {  	[simem:s7], [sflag:s8] =	dma.local @!p0 [hbm:s6], $0xF7A  }
0x23: {  	s9 =	sor.u32 $0xD0000000, s2;
	s6 =	simm.s32 $0x108;
	_ =	swait.ge @!p0 [sflag:s8], $0x0  }
0x24: {  	s3 =	sadd.s32 $0x88, s3;
	s6 =	simm.s32 @!p1 $0x1082;
	[sflag:s4] =	ssyncset.s32 $0xFFFFF086  }
0x25: {  	[simem:s6], [sflag:s4] =	dma.local [hbm:s3], $0xF7A  }
0x26: {  	[smem:$0x3F98] =	sst s1;
	(tag) =	ssettag s2;
	_ =	strace s9  }
0x27: {  	s1 =	sld [smem:$0x3FA8]  }
0x28: {  	s2 =	sld [smem:$0x3FA9]  }
0x29: {  	s4 =	sld [smem:$0x3FAB]  }
0x2a: {  	p0 =	seq.s32 s5, $0x0;
	s5 =	sld [smem:$0x3FAC]  }
0x2b: {  	s6 =	sld [smem:$0x3FAD]  }
0x2c: {  	s7 =	sld [smem:$0x3FAE]  }
0x2d: {  	s3 =	simm.s32 $0x108;
	s8 =	sld [smem:$0x3FAF]  }
0x2e: {  	s3 =	simm.s32 @!p0 $0x1082;
	s9 =	sld [smem:$0x3FB0]  }
0x2f: {  	lr =	sadd.s32 s0, s3;
	s0 =	sld [smem:$0x3FA7]  }
0x30: {  	s3 =	sld [smem:$0x3FAA]  }
0x31: {  	[smem:$0x3FB3] =	sst s10  }
0x32: {  	s10 =	sld [smem:$0x3FB1];
	_ =	sdelay $0x3  }
0x33: {  	p0 =	seq.s32 s10, $0x1;
	s10 =	sld [smem:$0x3FB3];
	_ =	sdelay $0x3  }
0x34: {  	[smem:$0x3FB3] =	sst s10  }
0x35: {  	s10 =	sld [smem:$0x3FB2];
	_ =	sdelay $0x3  }
0x36: {  	p1 =	seq.s32 s10, $0x1;
	s10 =	sld [smem:$0x3FB3];
	_ =	sdelay $0x3  }
0x37: {  	[smem:$0x3FB3] =	sst s10  }
0x38: {  	s10 =	sld [smem:$0x3FB4]  }
0x39: {  	_ = 	snop;
	(pc) =	sbr.ind lr, $3  }
0x3a: {  	_ = 	snop  }
0x3b: {  	_ = 	snop  }
0x3c: {  	p2 =	seq.s32 s10, $0x1;
	s10 =	sld [smem:$0x3FB3]  }
0x3d: {  	_ =	shalt  }
0x3e: {  	_ =	shalt  }
0x3f: {  	_ =	shalt  }
0x40: {  	_ =	shalt  }
0x41: {  	_ =	shalt  }
0x42: {  	_ =	shalt  }
0x43: {  	_ =	shalt  }
0x44: {  	_ =	shalt  }
0x45: {  	_ =	shalt  }
0x46: {  	_ =	shalt  }
0x47: {  	_ =	shalt  }
0x48: {  	_ =	shalt  }
0x49: {  	_ =	shalt  }
0x4a: {  	_ =	shalt  }
0x4b: {  	_ =	shalt  }
0x4c: {  	_ =	shalt  }
0x4d: {  	_ =	shalt  }
0x4e: {  	_ =	shalt  }
0x4f: {  	_ =	shalt  }
0x50: {  	_ =	shalt  }
0x51: {  	_ =	shalt  }
0x52: {  	_ =	shalt  }
0x53: {  	_ =	shalt  }
0x54: {  	_ =	shalt  }
0x55: {  	_ =	shalt  }
0x56: {  	_ =	shalt  }
0x57: {  	_ =	shalt  }
0x58: {  	_ =	shalt  }
0x59: {  	_ =	shalt  }
0x5a: {  	_ =	shalt  }
0x5b: {  	_ =	shalt  }
0x5c: {  	_ =	shalt  }
0x5d: {  	_ =	shalt  }
0x5e: {  	_ =	shalt  }
0x5f: {  	_ =	shalt  }
0x60: {  	_ =	shalt  }
0x61: {  	_ =	shalt  }
0x62: {  	_ =	shalt  }
0x63: {  	_ =	shalt  }
0x64: {  	_ =	shalt  }
0x65: {  	_ =	shalt  }
0x66: {  	_ =	shalt  }
0x67: {  	_ =	shalt  }
0x68: {  	_ =	shalt  }
0x69: {  	_ =	shalt  }
0x6a: {  	_ =	shalt  }
0x6b: {  	_ =	shalt  }
0x6c: {  	_ =	shalt  }
0x6d: {  	_ =	shalt  }
0x6e: {  	_ =	shalt  }
0x6f: {  	_ =	shalt  }
0x70: {  	_ =	shalt  }
0x71: {  	_ =	shalt  }
0x72: {  	_ =	shalt  }
0x73: {  	_ =	shalt  }
0x74: {  	_ =	shalt  }
0x75: {  	_ =	shalt  }
0x76: {  	_ =	shalt  }
0x77: {  	_ =	shalt  }
0x78: {  	_ =	shalt  }
0x79: {  	_ =	shalt  }
0x7a: {  	_ =	shalt  }
0x7b: {  	_ =	shalt  }
0x7c: {  	_ =	shalt  }
0x7d: {  	_ =	shalt  }
0x7e: {  	_ =	shalt  }
0x7f: {  	_ =	shalt  }
0x80: {  	_ =	shalt  }
0x81: {  	_ =	shalt  }
0x82: {  	_ =	shalt  }
0x83: {  	_ =	shalt  }
0x84: {  	_ =	shalt  }
0x85: {  	_ =	shalt  }
0x86: {  	_ =	shalt  }
0x87: {  	_ =	shalt  }
.Lfunc_end0:
.L_simem_size_0:
called_computation.2_lowered:
.L_overlay_start_0:
0x88: {  	s2 =	sld [smem:$0x3FD9]  }
0x89: {  	s3 =	sld [smem:$0x3FFE];
	_ =	sdelay $0x1  }
0x8a: {  	s1 =	srdreg.scid  }
0x8b: {  	s0 =	sand.u32 $0x1, s1  }
0x8c: {  	s16 =	sshll.u32 s0, $0xA;
	s2 =	sadd.s32 s3, s2  }
0x8d: {  	s2 =	sadd.s32 s2, s16  }
0x8e: {  	[smem:$0x3FBF] =	sst s2  }
0x8f: {  	_ = 	snop  }
0x90: {  	(tm) =	ssettm $0x1  }
0x91: {  	s17 =	sld [smem:$0x3FFB];
	_ =	sdelay $0x3  }
0x92: {  	_ =	strace s17  }
0x93: {  	s2 =	sld [smem:$0x3FFC];
	_ =	sdelay $0x3  }
0x94: {  	_ =	strace s2  }
0x95: {  	s2 =	sld [smem:$0x3FFD];
	_ =	sdelay $0x3  }
0x96: {  	_ =	strace s2  }
0x97: {  	_ =	strace $0x8FFFFFFF  }
0x98: {  	s18 =	sld [smem:$0x3FDB];
	_ =	sdelay $0x1  }
0x99: {  	s19 =	simm.s32 $_scs_section_size  }
0x9a: {  	s4 =	simm.s32 $_size__tile_overlayer_lowered;
	s5 =	simm.s32 $_tile_overlayer_lowered  }
0x9b: {  	s22 =	simm.s32 $0x1BFF;
	s21 =	sshll.u32 s5, $0x1;
	s2 =	sadd.s32 s19, s18  }
0x9c: {  	s6 =	simm.s32 $0x0;
	s20 =	sshll.u32 s4, $0x1;
	s4 =	sadd.s32 s21, s2  }
0x9d: {  	[timem:s6], [sflag:s22] =	dma.local [hbm:s4], s20  }
0x9e: {  	_ =	swait.ge [sflag:s22], s20  }
0x9f: {  	s3 =	ssub.s32 $0x0, s20;
	[sflag:s22] =	ssyncset.done $0x0  }
0xa0: {  	[sflag:s22] =	ssyncadd.s32 s3;
	_ =	sdelay $0x1  }
0xa1: {  	s23 =	simm.s32 $0x1B8B  }
0xa2: {  	_ =	swait.ge [sflag:s23], $0x1  }
0xa3: {  	[sflag:s23] =	ssyncset.done $0x0  }
0xa4: {  	s25 =	simm.s32 $0x1B8E;
	s24 =	sld [smem:$0x3FFE];
	[sflag:s23] =	ssyncadd.s32 $0xFFFFFFFF  }
0xa5: {  	s26 =	simm.s32 $execute0_lowered;
	[smem:$0x3FD2] =	sst s25  }
0xa6: {  	s4 =	sshll.u32 s26, $0x1;
	_ =	strace $0x8000004C;
	[dreg:$0x1] =	wrdreg $0xFFFFFFFF  }
0xa7: {  	s28 =	simm.s32 $_size_execute0_lowered;
	s2 =	sadd.s32 s2, s4;
	[dreg:$0x0] =	wrdreg $0x0  }
0xa8: {  	s4 =	sshll.u32 s28, $0x1;
	[dreg:$0x2] =	wrdreg s2  }
0xa9: {  	[dreg:$0x3] =	wrdreg s4  }
0xaa: {  	[dreg:$0x4] =	wrdreg $0xC0  }
0xab: {  	_ =	task [dreg:s6], $0x5FFFF  }
0xac: {  	[dreg:$0x1] =	wrdreg $0xFFFFFFFF  }
0xad: {  	[dreg:$0x0] =	wrdreg $0x60  }
0xae: {  	[dreg:$0x2] =	wrdreg s24  }
0xaf: {  	[dreg:$0x3] =	wrdreg $0x0  }
0xb0: {  	[dreg:$0x4] =	wrdreg $0x9  }
0xb1: {  	_ =	task.clear_ibuf [dreg:s6], $0x5FFFF;
	_ =	strace $0x9000004C  }
0xb2: {  	s29 =	simm.s32 $0x9;
	_ =	strace $0x8000004E  }
0xb3: {  	_ =	swait.ge [sflag:s29], $0x1  }
0xb4: {  	[sflag:s29] =	ssyncadd.s32 $0xFFFFFFFF  }
0xb5: {  	_ =	strace $0x9000004E  }
0xb6: {  	_ =	sfence  }
0xb7: {  	s30 =	sld [smem:$0x0];
	_ =	sdelay $0x2  }
0xb8: {  	s31 =	sshll.u32 s1, $0xD;
	s1 =	sshrl.u32 s1, $0x2  }
0xb9: {  	s3 =	sand.u32 $0x4000, s31;
	s1 =	sadd.s32 s1, s30  }
0xba: {  	s0 =	sor.u32 s3, s0;
	s1 =	sshll.u32 s1, $0x11  }
0xbb: {  	s0 =	sor.u32 s1, s0  }
0xbc: {  	s0 =	sadd.s32 $0x8F2B, s0  }
0xbd: {  	[sflag:s0] =	ssyncadd.remote.s32 $0x1  }
0xbe: {  	_ =	sfence.sel $0xFFFF  }
0xbf: {  	[dreg:$0x0] =	wrdreg $0xFFFFFFFF;
	(pc) =	sbr.abs _section_cstart, $3  }
0xc0: {  	[dreg:$0x1] =	wrdreg $0xFFFFFFFF  }
0xc1: {  	_ =	task.clear_ibuf [dreg:s6], $0x2FFFF;
	_ =	strace $0x9FFFFFFF  }
0xc2: {  	(tm) =	ssettm $0x7FFFFFFF  }
0xc3: {  	_ =	shalt  }
tec
execute0_lowered:
.L_overlay_start_1:
0x0: {  	(tag) =	ssettag $0x1  }
0x1: {  	s1 =	srdreg.scid;
	s6 =	rddreg [dreg:$0x0]  }
0x2: {  	s0 =	stileid.u32;
	s2 =	rddreg [dreg:$0x1]  }
0x3: {  	s3 =	simm.s32 $0x0;
	s13 =	simm.s32 $0x9C40;
	s14 =	simm.s32 $0xC350  }
0x4: {  	s15 =	simm.s32 $0x50;
	s16 =	simm.s32 $0xEA60;
	s17 =	simm.s32 $0xFE60  }
0x5: {  	s18 =	simm.s32 $0x1;
	s19 =	simm.s32 $0x2;
	s20 =	simm.s32 $0xEA10  }
0x6: {  	s21 =	simm.s32 $0x0;
	s5 =	sand.u32 $0x1, s1;
	s29 =	sshll.u32 s0, $0x1  }
0x7: {  	s8 =	smul.u32 $0x9C40, s0;
	[smem:$0x7FF] =	sst s3;
	s4 =	sadd.s32 $0x63C00, s6  }
0x8: {  	s31 =	sshll.u32 s0, $0x6;
	s1 =	sor.u32 s5, s29;
	s9 =	smul.u32 $0x9C400, s5  }
0x9: {  	s5 =	ssub.s32 $0x2, s5;
	s7 =	smul.u32 $0x4E2, s1;
	s1 =	rddreg [dreg:$0x2]  }
0xa: {  	_ =	strace $0x8000004D;
	s30 =	sshrl.u32 s8, $0x3;
	s11 =	sshrl.u32 s5, $0x1  }
0xb: {  	s12 =	sadd.s32 s8, s2;
	s9 =	sadd.s32 s8, s9;
	s11 =	ssub.s32 s5, s11  }
0xc: {  	s10 =	sadd.s32 s7, s6;
	s7 =	sadd.s32 s30, s6;
	s9 =	sshrl.u32 s9, $0x3  }
0xd: {  	s9 =	sadd.s32 s9, s6;
	s5 =	sadd.s32 $0x9E800, s7;
	s6 =	sor.u32 $0x1C03, s31  }
0xe: {  	s7 =	sadd.s32 $0x1E00, s10;
	s8 =	sadd.s32 $0xBC00, s10;
	s10 =	smax.u32 s11, $0x1  }
0xf: {  	s11 =	sshrl.u32 s12, $0x3;
	s12 =	simm.s32 $0x3;
	s9 =	sadd.s32 $0xB2200, s9  }
.LBB2_1:
0x10: {  	[spmem:s11], [sflag:s6] =	dma.local [hbm:s5], $0x1388  }
0x11: {  	_ =	swait.ge [sflag:s12], $0x1388  }
0x12: {  	[sflag:s12] =	ssyncset.done $0x0  }
0x13: {  	[sflag:s12] =	ssyncadd.s32 $0xFFFFEC78  }
0x14: {  	[tilespmem:s13], [sflag:$0x3] =	stream.linear.gather [hbm4b:s7+s3], $0x2710, $0x38;
	[tilespmem:$0x11260] =	vst v63  }
0x15: {  	_ =	swait.ge [sflag:s12], $0x2710  }
0x16: {  	[sflag:s12] =	ssyncset.done $0x0  }
0x17: {  	[sflag:s12] =	ssyncadd.s32 $0xFFFFD8F0  }
0x18: {  	[tilespmem:s14], [sflag:$0x3] =	stream.linear.gather [hbm4b:s8+s3], $0x2710, $0x38;
	[tilespmem:$0x11260] =	vst v63  }
0x19: {  	_ =	swait.ge [sflag:s12], $0x2710  }
0x1a: {  	[sflag:s12] =	ssyncset.done $0x0  }
0x1b: {  	[sflag:s12] =	ssyncadd.s32 $0xFFFFD8F0  }
0x1c: {  	[bflag:$0x0] =	sbarrier.arrive $0xFFFF  }
0x1d: {  	[tilespmem:s16], [sflag:$0x1] =	stream.indirect.gather [hbm4b:s4+s15], $0x40, s13, s15, $0xb8;
	[tilespmem:$0x11260] =	vst v63  }
0x1e: {  	s22 =	simm.s32 $0x9C90  }
0x1f: {  	[tilespmem:s17], [sflag:$0x2] =	stream.indirect.gather [hbm4b:s4+s15], $0x40, s22, s15, $0xb8;
	[tilespmem:$0x11260] =	vst v63  }
0x20: {  	_ =	swait.ge [sflag:s18], $0x1400  }
0x21: {  	[sflag:s18] =	ssyncset.done $0x0  }
0x22: {  	s29 =	simm.s32 $0xC350;
	[sflag:s18] =	ssyncadd.s32 $0xFFFFEC00  }
0x23: {  	[spmem:s2] =	stream.indirect.scatter.add.f32 [tilespmem:s16], [sflag:$0x3], $0x40, s29, s15, $0xb8;
	[tilespmem:$0x11260] =	vst v63  }
0x24: {  	_ =	swait.ge [sflag:s12], $0x1400  }
0x25: {  	[sflag:s12] =	ssyncset.done $0x0  }
0x26: {  	s30 =	simm.s32 $0x9CE0;
	[sflag:s12] =	ssyncadd.s32 $0xFFFFEC00  }
0x27: {  	[tilespmem:s16], [sflag:$0x1] =	stream.indirect.gather [hbm4b:s4+s15], $0x40, s30, s15, $0xb8;
	[tilespmem:$0x11260] =	vst v63  }
0x28: {  	_ =	swait.ge [sflag:s19], $0x1400  }
0x29: {  	[sflag:s19] =	ssyncset.done $0x0  }
0x2a: {  	s31 =	simm.s32 $0xC3A0;
	[sflag:s19] =	ssyncadd.s32 $0xFFFFEC00  }
0x2b: {  	[spmem:s2] =	stream.indirect.scatter.add.f32 [tilespmem:s17], [sflag:$0x3], $0x40, s31, s15, $0xb8;
	[tilespmem:$0x11260] =	vst v63  }
0x2c: {  	_ =	swait.ge [sflag:s12], $0x1400  }
0x2d: {  	s23 =	simm.s32 $0x500;
	s22 =	simm.s32 $0xA0;
	[sflag:s12] =	ssyncset.done $0x0  }
.LBB2_2:
0x2e: {  	s24 =	sadd.s32 $0x9C90, s22  }
0x2f: {  	[sflag:s12] =	ssyncadd.s32 $0xFFFFEC00;
	s25 =	smov.u32 s23;
	s26 =	sadd.s32 $0x280, s23  }
0x30: {  	[tilespmem:s17], [sflag:$0x2] =	stream.indirect.gather [hbm4b:s4+s15], $0x40, s24, s15, $0xb8;
	[tilespmem:$0x11260] =	vst v63  }
0x31: {  	p0 =	sne.s32 s23, $0x9880;
	_ =	swait.ge [sflag:s18], $0x1400  }
0x32: {  	[sflag:s18] =	ssyncset.done $0x0  }
0x33: {  	s23 =	sadd.s32 $0xC350, s22;
	[sflag:s18] =	ssyncadd.s32 $0xFFFFEC00  }
0x34: {  	[spmem:s2] =	stream.indirect.scatter.add.f32 [tilespmem:s16], [sflag:$0x3], $0x40, s23, s15, $0xb8;
	[tilespmem:$0x11260] =	vst v63  }
0x35: {  	_ =	swait.ge [sflag:s12], $0x1400  }
0x36: {  	[sflag:s12] =	ssyncset.done $0x0  }
0x37: {  	s23 =	sadd.s32 $0x9CE0, s22;
	[sflag:s12] =	ssyncadd.s32 $0xFFFFEC00  }
0x38: {  	[tilespmem:s16], [sflag:$0x1] =	stream.indirect.gather [hbm4b:s4+s15], $0x40, s23, s15, $0xb8;
	[tilespmem:$0x11260] =	vst v63  }
0x39: {  	_ =	swait.ge [sflag:s19], $0x1400  }
.Ltmp0:
0x3a: {  	[sflag:s19] =	ssyncset.done $0x0;
	(pc) =	sbr.rel @p0 .LBB2_2-.Ltmp0, $4  }
0x3b: {  	s22 =	sadd.s32 $0xC3A0, s22;
	[sflag:s19] =	ssyncadd.s32 $0xFFFFEC00  }
0x3c: {  	[spmem:s2] =	stream.indirect.scatter.add.f32 [tilespmem:s17], [sflag:$0x3], $0x40, s22, s15, $0xb8;
	[tilespmem:$0x11260] =	vst v63  }
0x3d: {  	_ =	swait.ge [sflag:s12], $0x1400  }
0x3e: {  	s23 =	smov.u32 s26;
	s22 =	sshra.s32 s25, $0x2;
	[sflag:s12] =	ssyncset.done $0x0  }
0x3f: {  	s23 =	sadd.s32 $0x9C90, s22;
	[sflag:s12] =	ssyncadd.s32 $0xFFFFEC00  }
0x40: {  	[tilespmem:s17], [sflag:$0x2] =	stream.indirect.gather [hbm4b:s4+s15], $0x40, s23, s15, $0xb8;
	[tilespmem:$0x11260] =	vst v63  }
0x41: {  	_ =	swait.ge [sflag:s18], $0x1400  }
0x42: {  	[sflag:s18] =	ssyncset.done $0x0  }
0x43: {  	s29 =	sadd.s32 $0xC350, s22;
	[sflag:s18] =	ssyncadd.s32 $0xFFFFEC00  }
0x44: {  	[spmem:s2] =	stream.indirect.scatter.add.f32 [tilespmem:s16], [sflag:$0x3], $0x40, s29, s15, $0xb8;
	[tilespmem:$0x11260] =	vst v63  }
0x45: {  	_ =	swait.ge [sflag:s12], $0x1400  }
0x46: {  	[sflag:s12] =	ssyncset.done $0x0  }
0x47: {  	s30 =	sadd.s32 $0x9CE0, s22;
	[sflag:s12] =	ssyncadd.s32 $0xFFFFEC00  }
0x48: {  	[tilespmem:s16], [sflag:$0x1] =	stream.indirect.gather [hbm4b:s4+s15], $0x40, s30, s15, $0xb8;
	[tilespmem:$0x11260] =	vst v63  }
0x49: {  	_ =	swait.ge [sflag:s19], $0x1400  }
0x4a: {  	[sflag:s19] =	ssyncset.done $0x0  }
0x4b: {  	s31 =	sadd.s32 $0xC3A0, s22;
	[sflag:s19] =	ssyncadd.s32 $0xFFFFEC00  }
0x4c: {  	[spmem:s2] =	stream.indirect.scatter.add.f32 [tilespmem:s17], [sflag:$0x3], $0x40, s31, s15, $0xb8;
	[tilespmem:$0x11260] =	vst v63  }
0x4d: {  	_ =	swait.ge [sflag:s12], $0x1400  }
0x4e: {  	[sflag:s12] =	ssyncset.done $0x0  }
0x4f: {  	[sflag:s12] =	ssyncadd.s32 $0xFFFFEC00  }
0x50: {  	_ =	swait.ge [sflag:s18], $0x1400  }
0x51: {  	[sflag:s18] =	ssyncset.done $0x0  }
0x52: {  	[sflag:s18] =	ssyncadd.s32 $0xFFFFEC00  }
0x53: {  	[spmem:s2] =	stream.indirect.scatter.add.f32 [tilespmem:s16], [sflag:$0x3], $0x40, s20, s15, $0xb8;
	[tilespmem:$0x11260] =	vst v63  }
0x54: {  	_ =	swait.ge [sflag:s12], $0x1400  }
0x55: {  	s21 =	sadd.s32 $0x1, s21;
	[sflag:s12] =	ssyncset.done $0x0  }
0x56: {  	p0 =	sne.s32 s21, s10;
	[sflag:s12] =	ssyncadd.s32 $0xFFFFEC00  }
.Ltmp1:
0x57: {  	[bflag:$0x0] =	sbarrier.arrive $0xFFFF;
	(pc) =	sbr.rel @p0 .LBB2_1-.Ltmp1, $4  }
0x58: {  	[hbm:s9], [sflag:s6] =	dma.local [spmem:s11], $0x1388  }
0x59: {  	_ =	swait.ge [sflag:s12], $0x1388  }
0x5a: {  	[sflag:s12] =	ssyncset.done $0x0  }
0x5b: {  	[sflag:s12] =	ssyncadd.s32 $0xFFFFEC78  }
0x5c: {  	_ =	sfence.sel $0x180000  }
0x5d: {  	[bflag:$0x0] =	sbarrier.arrive $0xFFFF  }
0x5e: {  	p0 =	sne.s32 s0, $0x0;
	_ =	strace $0x9000004D  }
0x5f: {  	s0 =	sadd.s32 @!p0 $0x100000, s1;
	[bflag:$0x2] =	sbarrier.arrive $0xFFFF  }
0x60: {  	[sflag:s0] =	ssyncadd.tile.s32 @!p0 $0x1;
	_ =	shalt  }
.Lfunc_end2:
_tile_overlayer_lowered:
.L_overlay_start_2:
0x61: {  	(tag) =	ssettag $0x2  }
0x62: {  	s0 =	rddreg [dreg:$0x0];
	s2 =	stileid.u32  }
0x63: {  	s1 =	rddreg [dreg:$0x1];
	p0 =	sne.s32 s2, $0x0  }
0x64: {  	s3 =	rddreg [dreg:$0x2];
	[bflag:$0x3] =	sbarrier.arrive $0xFFFF;
	s2 =	simm.s32 @!p0 $0x1C03  }
0x65: {  	[timem:s3], [sflag:s2] =	dma.local @!p0 [hbm:s0], s1  }
0x66: {  	s0 =	simm.s32 @!p0 $0x3  }
0x67: {  	_ =	swait.ge @!p0 [sflag:s0], s1  }
0x68: {  	s1 =	ssub.s32 @!p0 $0x0, s1;
	[sflag:s0] =	ssyncset.done @!p0 $0x0  }
0x69: {  	[sflag:s0] =	ssyncadd.s32 @!p0 s1  }
0x6a: {  	[bflag:$0x3] =	sbarrier.arrive $0xFFFF  }
0x6b: {  	_ =	shalt  }

// kernel: _impl.8.cloned.1.call-start
scs
__scs_entry_jumppad:
0x0: {  	(pc) =	sbr.rel $0x88, $3  }
0x1: {  	(tag) =	ssettag $0x0;
	lr =	simm.s32 $0x1  }
0x2: {  	[smem:$0x3F98] =	sst lr;
	_ =	strace $0xD0000000  }
0x3: {  	_ = 	snop  }
0x4: {  	_ = 	snop  }
0x5: {  	_ = 	snop  }
0x6: {  	_ = 	snop  }
0x7: {  	_ = 	snop  }
__scs_overlays_trampoline_lowered:
0x8: {  	[smem:$0x3FA7] =	sst s0  }
0x9: {  	[smem:$0x3FA8] =	sst s1  }
0xa: {  	[smem:$0x3FA9] =	sst s2  }
0xb: {  	[smem:$0x3FAA] =	sst s3  }
0xc: {  	[smem:$0x3FAB] =	sst s4  }
0xd: {  	[smem:$0x3FAC] =	sst s5  }
0xe: {  	[smem:$0x3FAD] =	sst s6  }
0xf: {  	[smem:$0x3FAE] =	sst s7  }
0x10: {  	[smem:$0x3FAF] =	sst s8  }
0x11: {  	[smem:$0x3FB0] =	sst s9;
	s0 =	simm.s32 @!p0 $0x0  }
0x12: {  	s1 =	sld [smem:$0x3F96];
	s0 =	simm.s32 @p0 $0x1  }
0x13: {  	[smem:$0x3FB1] =	sst s0;
	s0 =	simm.s32 @!p1 $0x0  }
0x14: {  	s2 =	sld [smem:$0x3F95];
	s0 =	simm.s32 @p1 $0x1  }
0x15: {  	[smem:$0x3FB2] =	sst s0;
	s0 =	simm.s32 @!p2 $0x0  }
0x16: {  	s3 =	sld [smem:$0x3FDB];
	s0 =	simm.s32 @p2 $0x1  }
0x17: {  	s4 =	simm.s32 $0x1BF5;
	[smem:$0x3FB4] =	sst s0  }
0x18: {  	s0 =	sld [smem:$0x3F97];
	_ =	swait.ge [sflag:s4], $0x0  }
0x19: {  	s7 =	sld [smem:$0x3F98]  }
0x1a: {  	s8 =	sadd.s32 $0xFFFFE003, lr  }
0x1b: {  	s9 =	sadd.s32 $0xFFFFFEF7, lr;
	s5 =	simm.s32 $0xFFFFFFFF;
	p2 =	slt.u32 s8, $0xFFFFF086  }
0x1c: {  	p1 =	slt.u32 s9, $0xF7A;
	s5 =	simm.s32 @!p2 $0x0  }
0x1d: {  	s5 =	simm.s32 @p1 $0x1;
	p0 =	seq.s32 s7, s2  }
0x1e: {  	s7 =	smul.u32 @!p0 $0xF7A, s2;
	p2 =	seq.s32 @!p0 s5, $0x0  }
0x1f: {  	s9 =	smul.u32 $0xF7A, s1;
	s8 =	simm.s32 @!p0 $0x1BF5;
	p2 =	por !p2, p0  }
0x20: {  	[sflag:s8] =	ssyncset.s32 @!p0 $0xFFFFF086;
	s6 =	sadd.s32 @!p0 s3, s7;
	s7 =	simm.s32 @!p0 $0x108  }
0x21: {  	s3 =	sadd.s32 s3, s9;
	s6 =	sadd.s32 @!p0 $0x88, s6;
	s7 =	simm.s32 @p2 $0x1082  }
0x22: {  	[simem:s7], [sflag:s8] =	dma.local @!p0 [hbm:s6], $0xF7A  }
0x23: {  	s9 =	sor.u32 $0xD0000000, s2;
	s6 =	simm.s32 $0x108;
	_ =	swait.ge @!p0 [sflag:s8], $0x0  }
0x24: {  	s3 =	sadd.s32 $0x88, s3;
	s6 =	simm.s32 @!p1 $0x1082;
	[sflag:s4] =	ssyncset.s32 $0xFFFFF086  }
0x25: {  	[simem:s6], [sflag:s4] =	dma.local [hbm:s3], $0xF7A  }
0x26: {  	[smem:$0x3F98] =	sst s1;
	(tag) =	ssettag s2;
	_ =	strace s9  }
0x27: {  	s1 =	sld [smem:$0x3FA8]  }
0x28: {  	s2 =	sld [smem:$0x3FA9]  }
0x29: {  	s4 =	sld [smem:$0x3FAB]  }
0x2a: {  	p0 =	seq.s32 s5, $0x0;
	s5 =	sld [smem:$0x3FAC]  }
0x2b: {  	s6 =	sld [smem:$0x3FAD]  }
0x2c: {  	s7 =	sld [smem:$0x3FAE]  }
0x2d: {  	s3 =	simm.s32 $0x108;
	s8 =	sld [smem:$0x3FAF]  }
0x2e: {  	s3 =	simm.s32 @!p0 $0x1082;
	s9 =	sld [smem:$0x3FB0]  }
0x2f: {  	lr =	sadd.s32 s0, s3;
	s0 =	sld [smem:$0x3FA7]  }
0x30: {  	s3 =	sld [smem:$0x3FAA]  }
0x31: {  	[smem:$0x3FB3] =	sst s10  }
0x32: {  	s10 =	sld [smem:$0x3FB1];
	_ =	sdelay $0x3  }
0x33: {  	p0 =	seq.s32 s10, $0x1;
	s10 =	sld [smem:$0x3FB3];
	_ =	sdelay $0x3  }
0x34: {  	[smem:$0x3FB3] =	sst s10  }
0x35: {  	s10 =	sld [smem:$0x3FB2];
	_ =	sdelay $0x3  }
0x36: {  	p1 =	seq.s32 s10, $0x1;
	s10 =	sld [smem:$0x3FB3];
	_ =	sdelay $0x3  }
0x37: {  	[smem:$0x3FB3] =	sst s10  }
0x38: {  	s10 =	sld [smem:$0x3FB4]  }
0x39: {  	_ = 	snop;
	(pc) =	sbr.ind lr, $3  }
0x3a: {  	_ = 	snop  }
0x3b: {  	_ = 	snop  }
0x3c: {  	p2 =	seq.s32 s10, $0x1;
	s10 =	sld [smem:$0x3FB3]  }
0x3d: {  	_ =	shalt  }
0x3e: {  	_ =	shalt  }
0x3f: {  	_ =	shalt  }
0x40: {  	_ =	shalt  }
0x41: {  	_ =	shalt  }
0x42: {  	_ =	shalt  }
0x43: {  	_ =	shalt  }
0x44: {  	_ =	shalt  }
0x45: {  	_ =	shalt  }
0x46: {  	_ =	shalt  }
0x47: {  	_ =	shalt  }
0x48: {  	_ =	shalt  }
0x49: {  	_ =	shalt  }
0x4a: {  	_ =	shalt  }
0x4b: {  	_ =	shalt  }
0x4c: {  	_ =	shalt  }
0x4d: {  	_ =	shalt  }
0x4e: {  	_ =	shalt  }
0x4f: {  	_ =	shalt  }
0x50: {  	_ =	shalt  }
0x51: {  	_ =	shalt  }
0x52: {  	_ =	shalt  }
0x53: {  	_ =	shalt  }
0x54: {  	_ =	shalt  }
0x55: {  	_ =	shalt  }
0x56: {  	_ =	shalt  }
0x57: {  	_ =	shalt  }
0x58: {  	_ =	shalt  }
0x59: {  	_ =	shalt  }
0x5a: {  	_ =	shalt  }
0x5b: {  	_ =	shalt  }
0x5c: {  	_ =	shalt  }
0x5d: {  	_ =	shalt  }
0x5e: {  	_ =	shalt  }
0x5f: {  	_ =	shalt  }
0x60: {  	_ =	shalt  }
0x61: {  	_ =	shalt  }
0x62: {  	_ =	shalt  }
0x63: {  	_ =	shalt  }
0x64: {  	_ =	shalt  }
0x65: {  	_ =	shalt  }
0x66: {  	_ =	shalt  }
0x67: {  	_ =	shalt  }
0x68: {  	_ =	shalt  }
0x69: {  	_ =	shalt  }
0x6a: {  	_ =	shalt  }
0x6b: {  	_ =	shalt  }
0x6c: {  	_ =	shalt  }
0x6d: {  	_ =	shalt  }
0x6e: {  	_ =	shalt  }
0x6f: {  	_ =	shalt  }
0x70: {  	_ =	shalt  }
0x71: {  	_ =	shalt  }
0x72: {  	_ =	shalt  }
0x73: {  	_ =	shalt  }
0x74: {  	_ =	shalt  }
0x75: {  	_ =	shalt  }
0x76: {  	_ =	shalt  }
0x77: {  	_ =	shalt  }
0x78: {  	_ =	shalt  }
0x79: {  	_ =	shalt  }
0x7a: {  	_ =	shalt  }
0x7b: {  	_ =	shalt  }
0x7c: {  	_ =	shalt  }
0x7d: {  	_ =	shalt  }
0x7e: {  	_ =	shalt  }
0x7f: {  	_ =	shalt  }
0x80: {  	_ =	shalt  }
0x81: {  	_ =	shalt  }
0x82: {  	_ =	shalt  }
0x83: {  	_ =	shalt  }
0x84: {  	_ =	shalt  }
0x85: {  	_ =	shalt  }
0x86: {  	_ =	shalt  }
0x87: {  	_ =	shalt  }
.Lfunc_end0:
.L_simem_size_0:
called_computation_lowered:
.L_overlay_start_0:
0x88: {  	s2 =	sld [smem:$0x3FD9]  }
0x89: {  	s3 =	sld [smem:$0x3FFE];
	_ =	sdelay $0x1  }
0x8a: {  	s1 =	srdreg.scid  }
0x8b: {  	s0 =	sand.u32 $0x1, s1  }
0x8c: {  	s16 =	sshll.u32 s0, $0xA;
	s2 =	sadd.s32 s3, s2  }
0x8d: {  	s2 =	sadd.s32 s2, s16  }
0x8e: {  	[smem:$0x3FBF] =	sst s2  }
0x8f: {  	_ = 	snop  }
0x90: {  	(tm) =	ssettm $0x1  }
0x91: {  	s17 =	sld [smem:$0x3FFB];
	_ =	sdelay $0x3  }
0x92: {  	_ =	strace s17  }
0x93: {  	s2 =	sld [smem:$0x3FFC];
	_ =	sdelay $0x3  }
0x94: {  	_ =	strace s2  }
0x95: {  	s2 =	sld [smem:$0x3FFD];
	_ =	sdelay $0x3  }
0x96: {  	_ =	strace s2  }
0x97: {  	_ =	strace $0x8FFFFFFF  }
0x98: {  	s18 =	sld [smem:$0x3FDB];
	_ =	sdelay $0x1  }
0x99: {  	s19 =	simm.s32 $_scs_section_size  }
0x9a: {  	s4 =	simm.s32 $_size__tile_overlayer_lowered;
	s5 =	simm.s32 $_tile_overlayer_lowered  }
0x9b: {  	s22 =	simm.s32 $0x1BFF;
	s21 =	sshll.u32 s5, $0x1;
	s2 =	sadd.s32 s19, s18  }
0x9c: {  	s6 =	simm.s32 $0x0;
	s20 =	sshll.u32 s4, $0x1;
	s4 =	sadd.s32 s21, s2  }
0x9d: {  	[timem:s6], [sflag:s22] =	dma.local [hbm:s4], s20  }
0x9e: {  	_ =	swait.ge [sflag:s22], s20  }
0x9f: {  	s3 =	ssub.s32 $0x0, s20;
	[sflag:s22] =	ssyncset.done $0x0  }
0xa0: {  	[sflag:s22] =	ssyncadd.s32 s3;
	_ =	sdelay $0x1  }
0xa1: {  	s23 =	simm.s32 $0x1B8B  }
0xa2: {  	_ =	swait.ge [sflag:s23], $0x1  }
0xa3: {  	[sflag:s23] =	ssyncset.done $0x0  }
0xa4: {  	s25 =	simm.s32 $0x1B8E;
	s24 =	sld [smem:$0x3FFE];
	[sflag:s23] =	ssyncadd.s32 $0xFFFFFFFF  }
0xa5: {  	s26 =	simm.s32 $execute0_lowered;
	[smem:$0x3FD2] =	sst s25  }
0xa6: {  	s4 =	sshll.u32 s26, $0x1;
	_ =	strace $0x80000046;
	[dreg:$0x1] =	wrdreg $0xFFFFFFFF  }
0xa7: {  	s28 =	simm.s32 $_size_execute0_lowered;
	s2 =	sadd.s32 s2, s4;
	[dreg:$0x0] =	wrdreg $0x0  }
0xa8: {  	s4 =	sshll.u32 s28, $0x1;
	[dreg:$0x2] =	wrdreg s2  }
0xa9: {  	[dreg:$0x3] =	wrdreg s4  }
0xaa: {  	[dreg:$0x4] =	wrdreg $0xC0  }
0xab: {  	_ =	task [dreg:s6], $0x5FFFF  }
0xac: {  	[dreg:$0x1] =	wrdreg $0xFFFFFFFF  }
0xad: {  	[dreg:$0x0] =	wrdreg $0x60  }
0xae: {  	[dreg:$0x2] =	wrdreg s24  }
0xaf: {  	[dreg:$0x3] =	wrdreg $0x0  }
0xb0: {  	[dreg:$0x4] =	wrdreg $0x9  }
0xb1: {  	_ =	task.clear_ibuf [dreg:s6], $0x5FFFF;
	_ =	strace $0x90000046  }
0xb2: {  	s29 =	simm.s32 $0x9;
	_ =	strace $0x80000048  }
0xb3: {  	_ =	swait.ge [sflag:s29], $0x1  }
0xb4: {  	[sflag:s29] =	ssyncadd.s32 $0xFFFFFFFF  }
0xb5: {  	_ =	strace $0x90000048  }
0xb6: {  	_ =	sfence  }
0xb7: {  	s30 =	sld [smem:$0x0];
	_ =	sdelay $0x2  }
0xb8: {  	s31 =	sshll.u32 s1, $0xD;
	s1 =	sshrl.u32 s1, $0x2  }
0xb9: {  	s3 =	sand.u32 $0x4000, s31;
	s1 =	sadd.s32 s1, s30  }
0xba: {  	s0 =	sor.u32 s3, s0;
	s1 =	sshll.u32 s1, $0x11  }
0xbb: {  	s0 =	sor.u32 s1, s0  }
0xbc: {  	s0 =	sadd.s32 $0x8F2B, s0  }
0xbd: {  	[sflag:s0] =	ssyncadd.remote.s32 $0x1  }
0xbe: {  	_ =	sfence.sel $0xFFFF  }
0xbf: {  	[dreg:$0x0] =	wrdreg $0xFFFFFFFF;
	(pc) =	sbr.abs _section_cstart, $3  }
0xc0: {  	[dreg:$0x1] =	wrdreg $0xFFFFFFFF  }
0xc1: {  	_ =	task.clear_ibuf [dreg:s6], $0x2FFFF;
	_ =	strace $0x9FFFFFFF  }
0xc2: {  	(tm) =	ssettm $0x7FFFFFFF  }
0xc3: {  	_ =	shalt  }
tec
execute0_lowered:
.L_overlay_start_1:
0x0: {  	(tag) =	ssettag $0x1  }
0x1: {  	s1 =	srdreg.scid;
	s5 =	rddreg [dreg:$0x0]  }
0x2: {  	s0 =	stileid.u32;
	s2 =	rddreg [dreg:$0x1]  }
0x3: {  	s3 =	simm.s32 $0x0;
	s13 =	simm.s32 $0x3A98;
	s14 =	simm.s32 $0x50  }
0x4: {  	s15 =	simm.s32 $0x0;
	s4 =	sand.u32 $0x1, s1;
	s29 =	sshll.u32 s0, $0x1  }
0x5: {  	s7 =	smul.u32 $0x1388, s0;
	[smem:$0x7FF] =	sst s3;
	s31 =	sshll.u32 s0, $0x6  }
0x6: {  	s1 =	sor.u32 s4, s29;
	s8 =	smul.u32 $0x13880, s4;
	s10 =	ssub.s32 $0x2, s4  }
0x7: {  	s4 =	sadd.s32 $0x18200, s5;
	s6 =	smul.u32 $0x4E2, s1;
	s1 =	rddreg [dreg:$0x2]  }
0x8: {  	_ =	strace $0x80000047;
	s30 =	sshrl.u32 s7, $0x3;
	s11 =	sshrl.u32 s10, $0x1  }
0x9: {  	s12 =	sadd.s32 s7, s2;
	s8 =	sadd.s32 s7, s8;
	s10 =	ssub.s32 s10, s11  }
0xa: {  	s9 =	sadd.s32 s6, s5;
	s6 =	sadd.s32 s30, s5;
	s8 =	sshrl.u32 s8, $0x3  }
0xb: {  	s11 =	simm.s32 $0x1;
	s8 =	sadd.s32 s8, s5;
	s5 =	sadd.s32 $0x15A00, s6  }
0xc: {  	s6 =	sor.u32 $0x1C01, s31;
	s7 =	sadd.s32 $0xBC00, s9;
	s9 =	smax.u32 s10, $0x1  }
0xd: {  	s10 =	sshrl.u32 s12, $0x3;
	s12 =	simm.s32 $0x1388;
	s8 =	sadd.s32 $0x18400, s8  }
.LBB2_1:
0xe: {  	[spmem:s10], [sflag:s6] =	dma.local [hbm:s5], $0x271  }
0xf: {  	_ =	swait.ge [sflag:s11], $0x271  }
0x10: {  	[sflag:s11] =	ssyncset.done $0x0  }
0x11: {  	[sflag:s11] =	ssyncadd.s32 $0xFFFFFD8F  }
0x12: {  	[tilespmem:s12], [sflag:$0x1] =	stream.linear.gather [hbm4b:s7+s3], $0x2710, $0x38;
	[tilespmem:$0x3D18] =	vst v63  }
0x13: {  	_ =	swait.ge [sflag:s11], $0x2710  }
0x14: {  	[sflag:s11] =	ssyncset.done $0x0  }
0x15: {  	[sflag:s11] =	ssyncadd.s32 $0xFFFFD8F0  }
0x16: {  	[tilespmem:s13], [sflag:$0x1] =	stream.linear.gather [hbm4b:s4+s3], $0x280, $0x38;
	[tilespmem:$0x3D18] =	vst v63  }
0x17: {  	_ =	swait.ge [sflag:s11], $0x280  }
0x18: {  	[sflag:s11] =	ssyncset.done $0x0  }
0x19: {  	[sflag:s11] =	ssyncadd.s32 $0xFFFFFD80  }
0x1a: {  	s16 =	simm.s32 $0x1388;
	[bflag:$0x0] =	sbarrier.arrive $0xFFFF  }
0x1b: {  	[spmem:s2] =	stream.indirect.scatter.add.f32 [tilespmem:s13], [sflag:$0x1], $0x8, s16, s14, $0xb8;
	[tilespmem:$0x3D18] =	vst v63  }
0x1c: {  	s16 =	simm.s32 $0x140;
	_ =	swait.ge [sflag:s11], $0x280  }
.LBB2_2:
0x1d: {  	s17 =	sshra.s32 s16, $0x2;
	[sflag:s11] =	ssyncset.done $0x0;
	p0 =	sne.s32 s16, $0x9B00  }
.Ltmp0:
0x1e: {  	s17 =	sadd.s32 $0x1388, s17;
	[sflag:s11] =	ssyncadd.s32 $0xFFFFFD80;
	(pc) =	sbr.rel @p0 .LBB2_2-.Ltmp0, $3  }
0x1f: {  	[spmem:s2] =	stream.indirect.scatter.add.f32 [tilespmem:s13], [sflag:$0x1], $0x8, s17, s14, $0xb8;
	[tilespmem:$0x3D18] =	vst v63  }
0x20: {  	s16 =	sadd.s32 $0x140, s16;
	_ =	sdelay $0x1  }
0x21: {  	_ =	swait.ge [sflag:s11], $0x280  }
0x22: {  	[sflag:s11] =	ssyncset.done $0x0;
	s15 =	sadd.s32 $0x1, s15  }
0x23: {  	[sflag:s11] =	ssyncadd.s32 $0xFFFFFD80;
	p0 =	sne.s32 s15, s9  }
.Ltmp1:
0x24: {  	[bflag:$0x0] =	sbarrier.arrive $0xFFFF;
	(pc) =	sbr.rel @p0 .LBB2_1-.Ltmp1, $4  }
0x25: {  	[hbm:s8], [sflag:s6] =	dma.local [spmem:s10], $0x271  }
0x26: {  	_ =	swait.ge [sflag:s11], $0x271  }
0x27: {  	[sflag:s11] =	ssyncset.done $0x0  }
0x28: {  	[sflag:s11] =	ssyncadd.s32 $0xFFFFFD8F  }
0x29: {  	_ =	sfence.sel $0x180000  }
0x2a: {  	[bflag:$0x0] =	sbarrier.arrive $0xFFFF  }
0x2b: {  	p0 =	sne.s32 s0, $0x0;
	_ =	strace $0x90000047  }
0x2c: {  	s0 =	sadd.s32 @!p0 $0x100000, s1;
	[bflag:$0x2] =	sbarrier.arrive $0xFFFF  }
0x2d: {  	[sflag:s0] =	ssyncadd.tile.s32 @!p0 $0x1;
	_ =	shalt  }
.Lfunc_end2:
_tile_overlayer_lowered:
.L_overlay_start_2:
0x2e: {  	(tag) =	ssettag $0x2  }
0x2f: {  	s0 =	rddreg [dreg:$0x0];
	s2 =	stileid.u32  }
0x30: {  	s1 =	rddreg [dreg:$0x1];
	p0 =	sne.s32 s2, $0x0  }
0x31: {  	s3 =	rddreg [dreg:$0x2];
	[bflag:$0x3] =	sbarrier.arrive $0xFFFF;
	s2 =	simm.s32 @!p0 $0x1C01  }
0x32: {  	[timem:s3], [sflag:s2] =	dma.local @!p0 [hbm:s0], s1  }
0x33: {  	s0 =	simm.s32 @!p0 $0x1  }
0x34: {  	_ =	swait.ge @!p0 [sflag:s0], s1  }
0x35: {  	s1 =	ssub.s32 @!p0 $0x0, s1;
	[sflag:s0] =	ssyncset.done @!p0 $0x0  }
0x36: {  	[sflag:s0] =	ssyncadd.s32 @!p0 s1  }
0x37: {  	[bflag:$0x3] =	sbarrier.arrive $0xFFFF  }
0x38: {  	_ =	shalt  }

</sc_bundles>
